<compile_context>
chip_gen: v7x
topology: tpu7x:2x2x1
jax: 0.10.2.dev20260603
libtpu: 0.0.44.dev20260713+nightly
codegen_flags: <defaults>
</compile_context>

<pallas_src>
import jax
import jax.numpy as jnp
from jax import lax
from jax.experimental import pallas as pl
from jax.experimental.pallas import tpu as pltpu
from jax.experimental.pallas import tpu_sc as plsc

VOCAB = 100000
DIM = 300
DIMP = 304
N_SPECIAL = 5

NC = 2
NS = 16
NW = NC * NS
LANES = 16

TOKENS = 1024 * 200
N_PER = TOKENS // NW
CHUNK = 128
NCHUNK = N_PER // CHUNK


def _row_copy(dst_ref, dst_row, src_ref, src_row):
    for c in range(0, DIMP, LANES):
        dst_ref[dst_row, pl.ds(c, LANES)] = src_ref[src_row, pl.ds(c, LANES)]


def _fixup_chunk(idx_v, g, aux_v, buf):
    lanes = lax.broadcasted_iota(jnp.int32, (LANES,), 0)

    def group(k, _):
        ids16 = idx_v[g, pl.ds(k * LANES, LANES)]
        is_pad = ids16 == 0
        is_spec = ids16 >= (VOCAB - N_SPECIAL)
        m = jnp.logical_or(is_pad, is_spec)
        mi = jnp.where(m, 1, 0)
        cnt = jnp.sum(mi)

        @pl.when(cnt > 0)
        def _():
            a16 = jnp.where(is_spec, ids16 - (VOCAB - N_SPECIAL) + 1, 0)

            def lane(i, _):
                sel = jnp.where(lanes == i, 1, 0)
                flag = jnp.sum(sel * mi)

                @pl.when(flag > 0)
                def _():
                    a = jnp.sum(sel * a16)
                    t = k * LANES + i
                    _row_copy(buf, t, aux_v, a)

                return 0

            lax.fori_loop(0, LANES, lane, 0)

        return 0

    lax.fori_loop(0, CHUNK // LANES, group, 0)


def _sc_kernel(idx_hbm, aux_hbm, table_hbm, out_hbm,
               idx_v, aux_v, rows0, rows1, gsem0, gsem1, ssem0, ssem1):
    cid = lax.axis_index("c")
    sid = lax.axis_index("s")
    wid = sid * NC + cid
    cbase = wid * NCHUNK

    pltpu.sync_copy(idx_hbm.at[pl.ds(cbase, NCHUNK)], idx_v)
    pltpu.sync_copy(aux_hbm, aux_v)

    bufs = (rows0, rows1)
    gsems = (gsem0, gsem1)
    ssems = (ssem0, ssem1)

    def gather_desc(g, b):
        return pltpu.make_async_copy(table_hbm.at[idx_v.at[g]], bufs[b], gsems[b])

    def store_desc(g, b):
        return pltpu.make_async_copy(
            bufs[b], out_hbm.at[pl.ds((cbase + g) * CHUNK, CHUNK)], ssems[b])

    gather_desc(0, 0).start()
    gather_desc(1, 1).start()

    @pl.loop(0, NCHUNK, step=2)
    def _(g0):
        for j in range(2):
            g = g0 + j
            gather_desc(g, j).wait()
            _fixup_chunk(idx_v, g, aux_v, bufs[j])
            store_desc(g, j).start()

            @pl.when(g + 2 < NCHUNK)
            def _():
                store_desc(g, j).wait()
                gather_desc(g + 2, j).start()

    store_desc(NCHUNK - 2, 0).wait()
    store_desc(NCHUNK - 1, 1).wait()


@jax.jit
def _run(idx2d, aux, table_p):
    mesh = plsc.VectorSubcoreMesh(
        core_axis_name="c", subcore_axis_name="s",
        num_cores=NC, num_subcores=NS)
    fn = pl.kernel(
        _sc_kernel,
        out_type=jax.ShapeDtypeStruct((TOKENS, DIMP), jnp.float32),
        mesh=mesh,
        scratch_types=[
            pltpu.VMEM((NCHUNK, CHUNK), jnp.int32),
            pltpu.VMEM((8, DIMP), jnp.float32),
            pltpu.VMEM((CHUNK, DIMP), jnp.float32),
            pltpu.VMEM((CHUNK, DIMP), jnp.float32),
            pltpu.SemaphoreType.DMA,
            pltpu.SemaphoreType.DMA,
            pltpu.SemaphoreType.DMA,
            pltpu.SemaphoreType.DMA,
        ],
        compiler_params=pltpu.CompilerParams(
            use_tc_tiling_on_sc=False, needs_layout_passes=False),
    )
    return fn(idx2d, aux, table_p)


def kernel(token_ids, table, w_special):
    B, L = token_ids.shape
    idx2d = token_ids.reshape(TOKENS // CHUNK, CHUNK).astype(jnp.int32)
    table_p = jnp.pad(table, ((0, 0), (0, DIMP - DIM)))
    aux = jnp.zeros((8, DIMP), jnp.float32).at[1:1 + N_SPECIAL, :DIM].set(w_special)
    out = _run(idx2d, aux, table_p)
    return out[:, :DIM].reshape(B, L, DIM)

# --- scband reference (transcript-rebuilt; emitter-appended) ---
"""Pipeline reference for scband-w2-vec-6330781795141 (READ-ONLY COPY).

The authoritative reference and input builder live on the scoring server;
editing this copy changes nothing except your own understanding.
"""

import jax, jax.numpy as jnp
import numpy as np

VOCAB = 100000
DIM = 300
B = 1024
L = 200
N_SPECIAL = 5  # comma, period, qmark, emark, unknown


def setup_inputs(seed: int = 0) -> dict:
    key = jax.random.key(seed)
    k1, k2, k3 = jax.random.split(key, 3)
    token_ids = jax.random.randint(k1, (B, L), 0, VOCAB)
    # pretrained word2vec table (GoogleNews-style 300-d vectors)
    table = jax.random.normal(k2, (VOCAB, DIM), dtype=jnp.float32) * 0.02
    # learned special-token weights: [comma, period, qmark, emark, unknown]
    w_special = jax.random.uniform(k3, (N_SPECIAL, DIM), dtype=jnp.float32, minval=-0.05, maxval=0.05)
    return {"token_ids": token_ids, "table": table, "w_special": w_special}


def reference(token_ids, table, w_special):
    # Core W2VEC.call semantics: per token, look up the pretrained word2vec
    # vector; tokens not in vocabulary map to one of 5 learned special
    # weights (w_comma/w_period/w_qmark/w_emark/w_unknown); padding slots
    # (null tokens used to left-pad to maxTokens) receive the zero vector.
    emb = jnp.take(table, token_ids, axis=0)  # [B, L, DIM] gather
    # reserve the top N_SPECIAL ids as OOV/punctuation specials
    spec_idx = jnp.clip(token_ids - (VOCAB - N_SPECIAL), 0, N_SPECIAL - 1)
    spec_emb = jnp.take(w_special, spec_idx, axis=0)
    is_special = (token_ids >= VOCAB - N_SPECIAL)[..., None]
    out = jnp.where(is_special, spec_emb, emb)
    # token id 0 == null padding -> zeroVec (left padding to maxTokens)
    is_pad = (token_ids == 0)[..., None]
    out = jnp.where(is_pad, jnp.zeros_like(out), out)
    return out

if __name__ == "__main__":
    import jax
    _d = setup_inputs()
    print(jax.jit(kernel)(*tuple(_d.values())))

</pallas_src>

<mosaic_0001>
#map = affine_map<(d0, d1) -> (0, 0)>
module attributes {stable_mosaic.version = 14 : i64} {
  func.func @_sc_kernel(%arg0: i32, %arg1: i32, %arg2: memref<1600x128xi32, #tpu.memory_space<hbm>>, %arg3: memref<8x304xf32, #tpu.memory_space<hbm>>, %arg4: memref<100000x304xf32, #tpu.memory_space<hbm>>, %arg5: memref<204800x304xf32, #tpu.memory_space<hbm>>, %arg6: memref<50x128xi32, #tpu.memory_space<vmem>>, %arg7: memref<8x304xf32, #tpu.memory_space<vmem>>, %arg8: memref<128x304xf32, #tpu.memory_space<vmem>>, %arg9: memref<128x304xf32, #tpu.memory_space<vmem>>, %arg10: memref<!tpu.dma_semaphore, #tpu.memory_space<semaphore_mem>>, %arg11: memref<!tpu.dma_semaphore, #tpu.memory_space<semaphore_mem>>, %arg12: memref<!tpu.dma_semaphore, #tpu.memory_space<semaphore_mem>>, %arg13: memref<!tpu.dma_semaphore, #tpu.memory_space<semaphore_mem>>) attributes {dimension_semantics = [#tpu.dimension_semantics<core_parallel>, #tpu.dimension_semantics<subcore_parallel>], iteration_bounds = array<i64: 2, 16>, scalar_prefetch = 0 : i64, scratch_operands = 8 : i64, tpu.core_type = #tpu.core_type<sc_vector_subcore>, window_params = [{transform_indices = #map}, {transform_indices = #map}, {transform_indices = #map}, {transform_indices = #map}]} {
    %mul3A = arith.constant 2 : i32
    %mul3A_0 = arith.muli %arg1, %mul3A : i32
    %add3A = arith.addi %mul3A_0, %arg0 : i32
    %mul3A_1 = arith.constant 50 : i32
    %mul3A_2 = arith.muli %add3A, %mul3A_1 : i32
    "tpu.region"() ({
      %run_scoped3A = tpu.sem_alloc : memref<!tpu.dma_semaphore, #tpu.memory_space<semaphore_mem>>
      %dma_start3A_35 = arith.constant 0 : i32
      %dma_start3A_36 = tpu.memref_slice %arg2[%mul3A_2, %dma_start3A_35] : memref<1600x128xi32, #tpu.memory_space<hbm>> -> memref<50x128xi32, #tpu.memory_space<hbm>>
      %dma_start3A_37 = arith.constant 0 : i32
      %dma_start3A_38 = tpu.memref_slice %arg2[%mul3A_2, %dma_start3A_37] : memref<1600x128xi32, #tpu.memory_space<hbm>> -> memref<50x128xi32, #tpu.memory_space<hbm>>
      tpu.enqueue_dma source(%dma_start3A_38 : memref<50x128xi32, #tpu.memory_space<hbm>>) target(%arg6 : memref<50x128xi32, #tpu.memory_space<vmem>>) target_semaphore(%run_scoped3A : memref<!tpu.dma_semaphore, #tpu.memory_space<semaphore_mem>>)
      %dma_wait3A_39 = arith.constant 0 : i32
      %dma_wait3A_40 = tpu.memref_slice %arg2[%mul3A_2, %dma_wait3A_39] : memref<1600x128xi32, #tpu.memory_space<hbm>> -> memref<50x128xi32, #tpu.memory_space<hbm>>
      %dma_wait3A_41 = arith.constant 0 : i32
      %dma_wait3A_42 = tpu.memref_slice %arg2[%mul3A_2, %dma_wait3A_41] : memref<1600x128xi32, #tpu.memory_space<hbm>> -> memref<50x128xi32, #tpu.memory_space<hbm>>
      tpu.wait_dma2 semaphore(%run_scoped3A : memref<!tpu.dma_semaphore, #tpu.memory_space<semaphore_mem>>) src(%dma_wait3A_42 : memref<50x128xi32, #tpu.memory_space<hbm>>) dst(%arg6 : memref<50x128xi32, #tpu.memory_space<vmem>>)
      tpu.yield
    }) : () -> ()
    "tpu.region"() ({
      %run_scoped3A = tpu.sem_alloc : memref<!tpu.dma_semaphore, #tpu.memory_space<semaphore_mem>>
      tpu.enqueue_dma source(%arg3 : memref<8x304xf32, #tpu.memory_space<hbm>>) target(%arg7 : memref<8x304xf32, #tpu.memory_space<vmem>>) target_semaphore(%run_scoped3A : memref<!tpu.dma_semaphore, #tpu.memory_space<semaphore_mem>>)
      tpu.wait_dma2 semaphore(%run_scoped3A : memref<!tpu.dma_semaphore, #tpu.memory_space<semaphore_mem>>) src(%arg3 : memref<8x304xf32, #tpu.memory_space<hbm>>) dst(%arg7 : memref<8x304xf32, #tpu.memory_space<vmem>>)
      tpu.yield
    }) : () -> ()
    %dma_start3A = arith.constant 0 : i32
    %dma_start3A_3 = arith.constant 0 : i32
    %dma_start3A_4 = tpu.memref_slice %arg6[%dma_start3A, %dma_start3A_3] : memref<50x128xi32, #tpu.memory_space<vmem>> -> memref<1x128xi32, #tpu.memory_space<vmem>>
    %dma_start3A_5 = tpu.memref_squeeze %dma_start3A_4 : memref<1x128xi32, #tpu.memory_space<vmem>> -> memref<128xi32, #tpu.memory_space<vmem>>
    %dma_start3A_6 = arith.constant 0 : i32
    %dma_start3A_7 = arith.constant 0 : i32
    %dma_start3A_8 = tpu.memref_slice %arg4[%dma_start3A_6, %dma_start3A_7] : memref<100000x304xf32, #tpu.memory_space<hbm>> -> memref<100000x304xf32, #tpu.memory_space<hbm>>
    tpu.enqueue_indirect_dma source(%dma_start3A_8 : memref<100000x304xf32, #tpu.memory_space<hbm>>) target(%arg8 : memref<128x304xf32, #tpu.memory_space<vmem>>) offsets(%dma_start3A_5 : memref<128xi32, #tpu.memory_space<vmem>>) semaphore(%arg10 : memref<!tpu.dma_semaphore, #tpu.memory_space<semaphore_mem>>)
    %dma_start3A_9 = arith.constant 1 : i32
    %dma_start3A_10 = arith.constant 0 : i32
    %dma_start3A_11 = tpu.memref_slice %arg6[%dma_start3A_9, %dma_start3A_10] : memref<50x128xi32, #tpu.memory_space<vmem>> -> memref<1x128xi32, #tpu.memory_space<vmem>>
    %dma_start3A_12 = tpu.memref_squeeze %dma_start3A_11 : memref<1x128xi32, #tpu.memory_space<vmem>> -> memref<128xi32, #tpu.memory_space<vmem>>
    %dma_start3A_13 = arith.constant 0 : i32
    %dma_start3A_14 = arith.constant 0 : i32
    %dma_start3A_15 = tpu.memref_slice %arg4[%dma_start3A_13, %dma_start3A_14] : memref<100000x304xf32, #tpu.memory_space<hbm>> -> memref<100000x304xf32, #tpu.memory_space<hbm>>
    tpu.enqueue_indirect_dma source(%dma_start3A_15 : memref<100000x304xf32, #tpu.memory_space<hbm>>) target(%arg9 : memref<128x304xf32, #tpu.memory_space<vmem>>) offsets(%dma_start3A_12 : memref<128xi32, #tpu.memory_space<vmem>>) semaphore(%arg11 : memref<!tpu.dma_semaphore, #tpu.memory_space<semaphore_mem>>)
    %scan3A = arith.constant 0 : i32
    %scan3A_16 = arith.constant 25 : i32
    %scan3A_17 = arith.addi %scan3A, %scan3A_16 : i32
    %scan3A_18 = arith.constant 1 : i32
    scf.for %scan3A_35 = %scan3A to %scan3A_17 step %scan3A_18  : i32 {
      %mul3A_36 = arith.constant 2 : i32
      %mul3A_37 = arith.muli %scan3A_35, %mul3A_36 : i32
      %add3A_38 = arith.constant 0 : i32
      %add3A_39 = arith.addi %add3A_38, %mul3A_37 : i32
      %add3A_40 = arith.constant 0 : i32
      %add3A_41 = arith.addi %add3A_39, %add3A_40 : i32
      %dma_wait3A_42 = arith.constant 0 : i32
      %dma_wait3A_43 = tpu.memref_slice %arg6[%add3A_41, %dma_wait3A_42] : memref<50x128xi32, #tpu.memory_space<vmem>> -> memref<1x128xi32, #tpu.memory_space<vmem>>
      %dma_wait3A_44 = tpu.memref_squeeze %dma_wait3A_43 : memref<1x128xi32, #tpu.memory_space<vmem>> -> memref<128xi32, #tpu.memory_space<vmem>>
      %dma_wait3A_45 = arith.constant 0 : i32
      %dma_wait3A_46 = arith.constant 0 : i32
      %dma_wait3A_47 = tpu.memref_slice %arg4[%dma_wait3A_45, %dma_wait3A_46] : memref<100000x304xf32, #tpu.memory_space<hbm>> -> memref<100000x304xf32, #tpu.memory_space<hbm>>
      tpu.wait_indirect_dma semaphore(%arg10 : memref<!tpu.dma_semaphore, #tpu.memory_space<semaphore_mem>>) src(%dma_wait3A_47 : memref<100000x304xf32, #tpu.memory_space<hbm>>) dst(%arg8 : memref<128x304xf32, #tpu.memory_space<vmem>>)
      %iota3A = tpu.iota {dimensions = array<i32: 0>} : vector<16xi32>
      %scan3A_48 = arith.constant 0 : i32
      %scan3A_49 = arith.constant 0 : i32
      %scan3A_50 = arith.constant 8 : i32
      %scan3A_51 = arith.addi %scan3A_49, %scan3A_50 : i32
      %scan3A_52 = arith.constant 1 : i32
      %scan3A_53 = scf.for %scan3A_96 = %scan3A_49 to %scan3A_51 step %scan3A_52 iter_args(%scan3A_97 = %scan3A_48) -> (i32)  : i32 {
        %mul3A_98 = arith.constant 16 : i32
        %mul3A_99 = arith.muli %scan3A_96, %mul3A_98 : i32
        %get3A = arith.index_cast %add3A_41 : i32 to index
        %get3A_100 = arith.index_cast %mul3A_99 : i32 to index
        %get3A_101 = tpu.vector_load %arg6[%get3A, %get3A_100] {strides = array<i32>} : memref<50x128xi32, #tpu.memory_space<vmem>>, vector<16xi32>,
        %eq3A = arith.constant 0 : i32
        %eq3A_102 = vector.broadcast %eq3A : i32 to vector<16xi32>
        %eq3A_103 = arith.cmpi eq, %get3A_101, %eq3A_102 : vector<16xi32>
        %ge3A = arith.constant 99995 : i32
        %ge3A_104 = vector.broadcast %ge3A : i32 to vector<16xi32>
        %ge3A_105 = arith.cmpi sge, %get3A_101, %ge3A_104 : vector<16xi32>
        %or3A = arith.ori %eq3A_103, %ge3A_105 : vector<16xi1>
        %jit3A = arith.constant 1 : i32
        %jit3A_106 = arith.constant 0 : i32
        %broadcast_in_dim3A = vector.broadcast %jit3A : i32 to vector<16xi32>
        %broadcast_in_dim3A_107 = vector.broadcast %jit3A_106 : i32 to vector<16xi32>
        %select_n3A = arith.select %or3A, %broadcast_in_dim3A, %broadcast_in_dim3A_107 : vector<16xi1>, vector<16xi32>
        %reduce_sum3A = arith.constant true
        %reduce_sum3A_108 = vector.broadcast %reduce_sum3A : i1 to vector<16xi1>
        %reduce_sum3A_109 = tpu.scan <sum>, %select_n3A masked %reduce_sum3A_108 : vector<16xi32>, vector<16xi1> -> vector<16xi32>
        %reduce_sum3A_110 = vector.extract %reduce_sum3A_109[15] : i32 from vector<16xi32>
        %gt3A = arith.constant 0 : i32
        %gt3A_111 = arith.cmpi sgt, %reduce_sum3A_110, %gt3A : i32
        %convert_element_type3A_112 = arith.extui %gt3A_111 : i1 to i32
        %cond3A_113 = arith.constant 0 : i32
        %cond3A_114 = arith.cmpi ne, %convert_element_type3A_112, %cond3A_113 : i32
        scf.if %cond3A_114 {
          %sub3A = arith.constant 99995 : i32
          %sub3A_116 = vector.broadcast %sub3A : i32 to vector<16xi32>
          %sub3A_117 = arith.subi %get3A_101, %sub3A_116 : vector<16xi32>
          %add3A_118 = arith.constant 1 : i32
          %add3A_119 = vector.broadcast %add3A_118 : i32 to vector<16xi32>
          %add3A_120 = arith.addi %sub3A_117, %add3A_119 : vector<16xi32>
          %jit3A_121 = arith.constant 0 : i32
          %broadcast_in_dim3A_122 = vector.broadcast %jit3A_121 : i32 to vector<16xi32>
          %select_n3A_123 = arith.select %ge3A_105, %add3A_120, %broadcast_in_dim3A_122 : vector<16xi1>, vector<16xi32>
          %scan3A_124 = arith.constant 0 : i32
          %scan3A_125 = arith.constant 0 : i32
          %scan3A_126 = arith.constant 16 : i32
          %scan3A_127 = arith.addi %scan3A_125, %scan3A_126 : i32
          %scan3A_128 = arith.constant 1 : i32
          %scan3A_129 = scf.for %scan3A_131 = %scan3A_125 to %scan3A_127 step %scan3A_128 iter_args(%scan3A_132 = %scan3A_124) -> (i32)  : i32 {
            %eq3A_133 = vector.broadcast %scan3A_131 : i32 to vector<16xi32>
            %eq3A_134 = arith.cmpi eq, %iota3A, %eq3A_133 : vector<16xi32>
            %jit3A_135 = arith.constant 1 : i32
            %jit3A_136 = arith.constant 0 : i32
            %broadcast_in_dim3A_137 = vector.broadcast %jit3A_135 : i32 to vector<16xi32>
            %broadcast_in_dim3A_138 = vector.broadcast %jit3A_136 : i32 to vector<16xi32>
            %select_n3A_139 = arith.select %eq3A_134, %broadcast_in_dim3A_137, %broadcast_in_dim3A_138 : vector<16xi1>, vector<16xi32>
            %mul3A_140 = arith.muli %select_n3A_139, %select_n3A : vector<16xi32>
            %reduce_sum3A_141 = arith.constant true
            %reduce_sum3A_142 = vector.broadcast %reduce_sum3A_141 : i1 to vector<16xi1>
            %reduce_sum3A_143 = tpu.scan <sum>, %mul3A_140 masked %reduce_sum3A_142 : vector<16xi32>, vector<16xi1> -> vector<16xi32>
            %reduce_sum3A_144 = vector.extract %reduce_sum3A_143[15] : i32 from vector<16xi32>
            %gt3A_145 = arith.constant 0 : i32
            %gt3A_146 = arith.cmpi sgt, %reduce_sum3A_144, %gt3A_145 : i32
            %convert_element_type3A_147 = arith.extui %gt3A_146 : i1 to i32
            %cond3A_148 = arith.constant 0 : i32
            %cond3A_149 = arith.cmpi ne, %convert_element_type3A_147, %cond3A_148 : i32
            scf.if %cond3A_149 {
              %mul3A_151 = arith.muli %select_n3A_139, %select_n3A_123 : vector<16xi32>
              %reduce_sum3A_152 = arith.constant true
              %reduce_sum3A_153 = vector.broadcast %reduce_sum3A_152 : i1 to vector<16xi1>
              %reduce_sum3A_154 = tpu.scan <sum>, %mul3A_151 masked %reduce_sum3A_153 : vector<16xi32>, vector<16xi1> -> vector<16xi32>
              %reduce_sum3A_155 = vector.extract %reduce_sum3A_154[15] : i32 from vector<16xi32>
              %mul3A_156 = arith.constant 16 : i32
              %mul3A_157 = arith.muli %scan3A_96, %mul3A_156 : i32
              %add3A_158 = arith.addi %mul3A_157, %scan3A_131 : i32
              %get3A_159 = arith.index_cast %reduce_sum3A_155 : i32 to index
              %get3A_160 = arith.constant 0 : index
              %get3A_161 = tpu.vector_load %arg7[%get3A_159, %get3A_160] {strides = array<i32>} : memref<8x304xf32, #tpu.memory_space<vmem>>, vector<16xf32>,
              %swap3A = arith.index_cast %add3A_158 : i32 to index
              %swap3A_162 = arith.constant 0 : index
              %swap3A_163 = tpu.vector_load %arg8[%swap3A, %swap3A_162] {strides = array<i32>} : memref<128x304xf32, #tpu.memory_space<vmem>>, vector<16xf32>,
              tpu.vector_store %arg8[%swap3A, %swap3A_162], %get3A_161 {strides = array<i32>} : memref<128x304xf32, #tpu.memory_space<vmem>>, vector<16xf32>,
              %get3A_164 = arith.index_cast %reduce_sum3A_155 : i32 to index
              %get3A_165 = arith.constant 16 : index
              %get3A_166 = tpu.vector_load %arg7[%get3A_164, %get3A_165] {strides = array<i32>} : memref<8x304xf32, #tpu.memory_space<vmem>>, vector<16xf32>,
              %swap3A_167 = arith.index_cast %add3A_158 : i32 to index
              %swap3A_168 = arith.constant 16 : index
              %swap3A_169 = tpu.vector_load %arg8[%swap3A_167, %swap3A_168] {strides = array<i32>} : memref<128x304xf32, #tpu.memory_space<vmem>>, vector<16xf32>,
              tpu.vector_store %arg8[%swap3A_167, %swap3A_168], %get3A_166 {strides = array<i32>} : memref<128x304xf32, #tpu.memory_space<vmem>>, vector<16xf32>,
              %get3A_170 = arith.index_cast %reduce_sum3A_155 : i32 to index
              %get3A_171 = arith.constant 32 : index
              %get3A_172 = tpu.vector_load %arg7[%get3A_170, %get3A_171] {strides = array<i32>} : memref<8x304xf32, #tpu.memory_space<vmem>>, vector<16xf32>,
              %swap3A_173 = arith.index_cast %add3A_158 : i32 to index
              %swap3A_174 = arith.constant 32 : index
              %swap3A_175 = tpu.vector_load %arg8[%swap3A_173, %swap3A_174] {strides = array<i32>} : memref<128x304xf32, #tpu.memory_space<vmem>>, vector<16xf32>,
              tpu.vector_store %arg8[%swap3A_173, %swap3A_174], %get3A_172 {strides = array<i32>} : memref<128x304xf32, #tpu.memory_space<vmem>>, vector<16xf32>,
              %get3A_176 = arith.index_cast %reduce_sum3A_155 : i32 to index
              %get3A_177 = arith.constant 48 : index
              %get3A_178 = tpu.vector_load %arg7[%get3A_176, %get3A_177] {strides = array<i32>} : memref<8x304xf32, #tpu.memory_space<vmem>>, vector<16xf32>,
              %swap3A_179 = arith.index_cast %add3A_158 : i32 to index
              %swap3A_180 = arith.constant 48 : index
              %swap3A_181 = tpu.vector_load %arg8[%swap3A_179, %swap3A_180] {strides = array<i32>} : memref<128x304xf32, #tpu.memory_space<vmem>>, vector<16xf32>,
              tpu.vector_store %arg8[%swap3A_179, %swap3A_180], %get3A_178 {strides = array<i32>} : memref<128x304xf32, #tpu.memory_space<vmem>>, vector<16xf32>,
              %get3A_182 = arith.index_cast %reduce_sum3A_155 : i32 to index
              %get3A_183 = arith.constant 64 : index
              %get3A_184 = tpu.vector_load %arg7[%get3A_182, %get3A_183] {strides = array<i32>} : memref<8x304xf32, #tpu.memory_space<vmem>>, vector<16xf32>,
              %swap3A_185 = arith.index_cast %add3A_158 : i32 to index
              %swap3A_186 = arith.constant 64 : index
              %swap3A_187 = tpu.vector_load %arg8[%swap3A_185, %swap3A_186] {strides = array<i32>} : memref<128x304xf32, #tpu.memory_space<vmem>>, vector<16xf32>,
              tpu.vector_store %arg8[%swap3A_185, %swap3A_186], %get3A_184 {strides = array<i32>} : memref<128x304xf32, #tpu.memory_space<vmem>>, vector<16xf32>,
              %get3A_188 = arith.index_cast %reduce_sum3A_155 : i32 to index
              %get3A_189 = arith.constant 80 : index
              %get3A_190 = tpu.vector_load %arg7[%get3A_188, %get3A_189] {strides = array<i32>} : memref<8x304xf32, #tpu.memory_space<vmem>>, vector<16xf32>,
              %swap3A_191 = arith.index_cast %add3A_158 : i32 to index
              %swap3A_192 = arith.constant 80 : index
              %swap3A_193 = tpu.vector_load %arg8[%swap3A_191, %swap3A_192] {strides = array<i32>} : memref<128x304xf32, #tpu.memory_space<vmem>>, vector<16xf32>,
              tpu.vector_store %arg8[%swap3A_191, %swap3A_192], %get3A_190 {strides = array<i32>} : memref<128x304xf32, #tpu.memory_space<vmem>>, vector<16xf32>,
              %get3A_194 = arith.index_cast %reduce_sum3A_155 : i32 to index
              %get3A_195 = arith.constant 96 : index
              %get3A_196 = tpu.vector_load %arg7[%get3A_194, %get3A_195] {strides = array<i32>} : memref<8x304xf32, #tpu.memory_space<vmem>>, vector<16xf32>,
              %swap3A_197 = arith.index_cast %add3A_158 : i32 to index
              %swap3A_198 = arith.constant 96 : index
              %swap3A_199 = tpu.vector_load %arg8[%swap3A_197, %swap3A_198] {strides = array<i32>} : memref<128x304xf32, #tpu.memory_space<vmem>>, vector<16xf32>,
              tpu.vector_store %arg8[%swap3A_197, %swap3A_198], %get3A_196 {strides = array<i32>} : memref<128x304xf32, #tpu.memory_space<vmem>>, vector<16xf32>,
              %get3A_200 = arith.index_cast %reduce_sum3A_155 : i32 to index
              %get3A_201 = arith.constant 112 : index
              %get3A_202 = tpu.vector_load %arg7[%get3A_200, %get3A_201] {strides = array<i32>} : memref<8x304xf32, #tpu.memory_space<vmem>>, vector<16xf32>,
              %swap3A_203 = arith.index_cast %add3A_158 : i32 to index
              %swap3A_204 = arith.constant 112 : index
              %swap3A_205 = tpu.vector_load %arg8[%swap3A_203, %swap3A_204] {strides = array<i32>} : memref<128x304xf32, #tpu.memory_space<vmem>>, vector<16xf32>,
              tpu.vector_store %arg8[%swap3A_203, %swap3A_204], %get3A_202 {strides = array<i32>} : memref<128x304xf32, #tpu.memory_space<vmem>>, vector<16xf32>,
              %get3A_206 = arith.index_cast %reduce_sum3A_155 : i32 to index
              %get3A_207 = arith.constant 128 : index
              %get3A_208 = tpu.vector_load %arg7[%get3A_206, %get3A_207] {strides = array<i32>} : memref<8x304xf32, #tpu.memory_space<vmem>>, vector<16xf32>,
              %swap3A_209 = arith.index_cast %add3A_158 : i32 to index
              %swap3A_210 = arith.constant 128 : index
              %swap3A_211 = tpu.vector_load %arg8[%swap3A_209, %swap3A_210] {strides = array<i32>} : memref<128x304xf32, #tpu.memory_space<vmem>>, vector<16xf32>,
              tpu.vector_store %arg8[%swap3A_209, %swap3A_210], %get3A_208 {strides = array<i32>} : memref<128x304xf32, #tpu.memory_space<vmem>>, vector<16xf32>,
              %get3A_212 = arith.index_cast %reduce_sum3A_155 : i32 to index
              %get3A_213 = arith.constant 144 : index
              %get3A_214 = tpu.vector_load %arg7[%get3A_212, %get3A_213] {strides = array<i32>} : memref<8x304xf32, #tpu.memory_space<vmem>>, vector<16xf32>,
              %swap3A_215 = arith.index_cast %add3A_158 : i32 to index
              %swap3A_216 = arith.constant 144 : index
              %swap3A_217 = tpu.vector_load %arg8[%swap3A_215, %swap3A_216] {strides = array<i32>} : memref<128x304xf32, #tpu.memory_space<vmem>>, vector<16xf32>,
              tpu.vector_store %arg8[%swap3A_215, %swap3A_216], %get3A_214 {strides = array<i32>} : memref<128x304xf32, #tpu.memory_space<vmem>>, vector<16xf32>,
              %get3A_218 = arith.index_cast %reduce_sum3A_155 : i32 to index
              %get3A_219 = arith.constant 160 : index
              %get3A_220 = tpu.vector_load %arg7[%get3A_218, %get3A_219] {strides = array<i32>} : memref<8x304xf32, #tpu.memory_space<vmem>>, vector<16xf32>,
              %swap3A_221 = arith.index_cast %add3A_158 : i32 to index
              %swap3A_222 = arith.constant 160 : index
              %swap3A_223 = tpu.vector_load %arg8[%swap3A_221, %swap3A_222] {strides = array<i32>} : memref<128x304xf32, #tpu.memory_space<vmem>>, vector<16xf32>,
              tpu.vector_store %arg8[%swap3A_221, %swap3A_222], %get3A_220 {strides = array<i32>} : memref<128x304xf32, #tpu.memory_space<vmem>>, vector<16xf32>,
              %get3A_224 = arith.index_cast %reduce_sum3A_155 : i32 to index
              %get3A_225 = arith.constant 176 : index
              %get3A_226 = tpu.vector_load %arg7[%get3A_224, %get3A_225] {strides = array<i32>} : memref<8x304xf32, #tpu.memory_space<vmem>>, vector<16xf32>,
              %swap3A_227 = arith.index_cast %add3A_158 : i32 to index
              %swap3A_228 = arith.constant 176 : index
              %swap3A_229 = tpu.vector_load %arg8[%swap3A_227, %swap3A_228] {strides = array<i32>} : memref<128x304xf32, #tpu.memory_space<vmem>>, vector<16xf32>,
              tpu.vector_store %arg8[%swap3A_227, %swap3A_228], %get3A_226 {strides = array<i32>} : memref<128x304xf32, #tpu.memory_space<vmem>>, vector<16xf32>,
              %get3A_230 = arith.index_cast %reduce_sum3A_155 : i32 to index
              %get3A_231 = arith.constant 192 : index
              %get3A_232 = tpu.vector_load %arg7[%get3A_230, %get3A_231] {strides = array<i32>} : memref<8x304xf32, #tpu.memory_space<vmem>>, vector<16xf32>,
              %swap3A_233 = arith.index_cast %add3A_158 : i32 to index
              %swap3A_234 = arith.constant 192 : index
              %swap3A_235 = tpu.vector_load %arg8[%swap3A_233, %swap3A_234] {strides = array<i32>} : memref<128x304xf32, #tpu.memory_space<vmem>>, vector<16xf32>,
              tpu.vector_store %arg8[%swap3A_233, %swap3A_234], %get3A_232 {strides = array<i32>} : memref<128x304xf32, #tpu.memory_space<vmem>>, vector<16xf32>,
              %get3A_236 = arith.index_cast %reduce_sum3A_155 : i32 to index
              %get3A_237 = arith.constant 208 : index
              %get3A_238 = tpu.vector_load %arg7[%get3A_236, %get3A_237] {strides = array<i32>} : memref<8x304xf32, #tpu.memory_space<vmem>>, vector<16xf32>,
              %swap3A_239 = arith.index_cast %add3A_158 : i32 to index
              %swap3A_240 = arith.constant 208 : index
              %swap3A_241 = tpu.vector_load %arg8[%swap3A_239, %swap3A_240] {strides = array<i32>} : memref<128x304xf32, #tpu.memory_space<vmem>>, vector<16xf32>,
              tpu.vector_store %arg8[%swap3A_239, %swap3A_240], %get3A_238 {strides = array<i32>} : memref<128x304xf32, #tpu.memory_space<vmem>>, vector<16xf32>,
              %get3A_242 = arith.index_cast %reduce_sum3A_155 : i32 to index
              %get3A_243 = arith.constant 224 : index
              %get3A_244 = tpu.vector_load %arg7[%get3A_242, %get3A_243] {strides = array<i32>} : memref<8x304xf32, #tpu.memory_space<vmem>>, vector<16xf32>,
              %swap3A_245 = arith.index_cast %add3A_158 : i32 to index
              %swap3A_246 = arith.constant 224 : index
              %swap3A_247 = tpu.vector_load %arg8[%swap3A_245, %swap3A_246] {strides = array<i32>} : memref<128x304xf32, #tpu.memory_space<vmem>>, vector<16xf32>,
              tpu.vector_store %arg8[%swap3A_245, %swap3A_246], %get3A_244 {strides = array<i32>} : memref<128x304xf32, #tpu.memory_space<vmem>>, vector<16xf32>,
              %get3A_248 = arith.index_cast %reduce_sum3A_155 : i32 to index
              %get3A_249 = arith.constant 240 : index
              %get3A_250 = tpu.vector_load %arg7[%get3A_248, %get3A_249] {strides = array<i32>} : memref<8x304xf32, #tpu.memory_space<vmem>>, vector<16xf32>,
              %swap3A_251 = arith.index_cast %add3A_158 : i32 to index
              %swap3A_252 = arith.constant 240 : index
              %swap3A_253 = tpu.vector_load %arg8[%swap3A_251, %swap3A_252] {strides = array<i32>} : memref<128x304xf32, #tpu.memory_space<vmem>>, vector<16xf32>,
              tpu.vector_store %arg8[%swap3A_251, %swap3A_252], %get3A_250 {strides = array<i32>} : memref<128x304xf32, #tpu.memory_space<vmem>>, vector<16xf32>,
              %get3A_254 = arith.index_cast %reduce_sum3A_155 : i32 to index
              %get3A_255 = arith.constant 256 : index
              %get3A_256 = tpu.vector_load %arg7[%get3A_254, %get3A_255] {strides = array<i32>} : memref<8x304xf32, #tpu.memory_space<vmem>>, vector<16xf32>,
              %swap3A_257 = arith.index_cast %add3A_158 : i32 to index
              %swap3A_258 = arith.constant 256 : index
              %swap3A_259 = tpu.vector_load %arg8[%swap3A_257, %swap3A_258] {strides = array<i32>} : memref<128x304xf32, #tpu.memory_space<vmem>>, vector<16xf32>,
              tpu.vector_store %arg8[%swap3A_257, %swap3A_258], %get3A_256 {strides = array<i32>} : memref<128x304xf32, #tpu.memory_space<vmem>>, vector<16xf32>,
              %get3A_260 = arith.index_cast %reduce_sum3A_155 : i32 to index
              %get3A_261 = arith.constant 272 : index
              %get3A_262 = tpu.vector_load %arg7[%get3A_260, %get3A_261] {strides = array<i32>} : memref<8x304xf32, #tpu.memory_space<vmem>>, vector<16xf32>,
              %swap3A_263 = arith.index_cast %add3A_158 : i32 to index
              %swap3A_264 = arith.constant 272 : index
              %swap3A_265 = tpu.vector_load %arg8[%swap3A_263, %swap3A_264] {strides = array<i32>} : memref<128x304xf32, #tpu.memory_space<vmem>>, vector<16xf32>,
              tpu.vector_store %arg8[%swap3A_263, %swap3A_264], %get3A_262 {strides = array<i32>} : memref<128x304xf32, #tpu.memory_space<vmem>>, vector<16xf32>,
              %get3A_266 = arith.index_cast %reduce_sum3A_155 : i32 to index
              %get3A_267 = arith.constant 288 : index
              %get3A_268 = tpu.vector_load %arg7[%get3A_266, %get3A_267] {strides = array<i32>} : memref<8x304xf32, #tpu.memory_space<vmem>>, vector<16xf32>,
              %swap3A_269 = arith.index_cast %add3A_158 : i32 to index
              %swap3A_270 = arith.constant 288 : index
              %swap3A_271 = tpu.vector_load %arg8[%swap3A_269, %swap3A_270] {strides = array<i32>} : memref<128x304xf32, #tpu.memory_space<vmem>>, vector<16xf32>,
              tpu.vector_store %arg8[%swap3A_269, %swap3A_270], %get3A_268 {strides = array<i32>} : memref<128x304xf32, #tpu.memory_space<vmem>>, vector<16xf32>,
            } else {
            }
            %scan3A_150 = arith.constant 0 : i32
            scf.yield %scan3A_150 : i32
          }
          %scan3A_130 = arith.constant 16 : i32
        } else {
        }
        %scan3A_115 = arith.constant 0 : i32
        scf.yield %scan3A_115 : i32
      }
      %scan3A_54 = arith.constant 8 : i32
      %add3A_55 = arith.addi %mul3A_2, %add3A_41 : i32
      %mul3A_56 = arith.constant 128 : i32
      %mul3A_57 = arith.muli %add3A_55, %mul3A_56 : i32
      %dma_start3A_58 = arith.constant 0 : i32
      %dma_start3A_59 = tpu.memref_slice %arg5[%mul3A_57, %dma_start3A_58] : memref<204800x304xf32, #tpu.memory_space<hbm>> -> memref<128x304xf32, #tpu.memory_space<hbm>>
      %dma_start3A_60 = arith.constant 0 : i32
      %dma_start3A_61 = tpu.memref_slice %arg5[%mul3A_57, %dma_start3A_60] : memref<204800x304xf32, #tpu.memory_space<hbm>> -> memref<128x304xf32, #tpu.memory_space<hbm>>
      tpu.enqueue_dma source(%arg8 : memref<128x304xf32, #tpu.memory_space<vmem>>) target(%dma_start3A_61 : memref<128x304xf32, #tpu.memory_space<hbm>>) target_semaphore(%arg12 : memref<!tpu.dma_semaphore, #tpu.memory_space<semaphore_mem>>)
      %add3A_62 = arith.constant 2 : i32
      %add3A_63 = arith.addi %add3A_41, %add3A_62 : i32
      %lt3A = arith.constant 50 : i32
      %lt3A_64 = arith.cmpi slt, %add3A_63, %lt3A : i32
      %convert_element_type3A = arith.extui %lt3A_64 : i1 to i32
      %cond3A = arith.constant 0 : i32
      %cond3A_65 = arith.cmpi ne, %convert_element_type3A, %cond3A : i32
      scf.if %cond3A_65 {
        %add3A_96 = arith.addi %mul3A_2, %add3A_41 : i32
        %mul3A_97 = arith.constant 128 : i32
        %mul3A_98 = arith.muli %add3A_96, %mul3A_97 : i32
        %dma_wait3A_99 = arith.constant 0 : i32
        %dma_wait3A_100 = tpu.memref_slice %arg5[%mul3A_98, %dma_wait3A_99] : memref<204800x304xf32, #tpu.memory_space<hbm>> -> memref<128x304xf32, #tpu.memory_space<hbm>>
        %dma_wait3A_101 = arith.constant 0 : i32
        %dma_wait3A_102 = tpu.memref_slice %arg5[%mul3A_98, %dma_wait3A_101] : memref<204800x304xf32, #tpu.memory_space<hbm>> -> memref<128x304xf32, #tpu.memory_space<hbm>>
        tpu.wait_dma2 semaphore(%arg12 : memref<!tpu.dma_semaphore, #tpu.memory_space<semaphore_mem>>) src(%arg8 : memref<128x304xf32, #tpu.memory_space<vmem>>) dst(%dma_wait3A_102 : memref<128x304xf32, #tpu.memory_space<hbm>>)
        %add3A_103 = arith.constant 2 : i32
        %add3A_104 = arith.addi %add3A_41, %add3A_103 : i32
        %dma_start3A_105 = arith.constant 0 : i32
        %dma_start3A_106 = tpu.memref_slice %arg6[%add3A_104, %dma_start3A_105] : memref<50x128xi32, #tpu.memory_space<vmem>> -> memref<1x128xi32, #tpu.memory_space<vmem>>
        %dma_start3A_107 = tpu.memref_squeeze %dma_start3A_106 : memref<1x128xi32, #tpu.memory_space<vmem>> -> memref<128xi32, #tpu.memory_space<vmem>>
        %dma_start3A_108 = arith.constant 0 : i32
        %dma_start3A_109 = arith.constant 0 : i32
        %dma_start3A_110 = tpu.memref_slice %arg4[%dma_start3A_108, %dma_start3A_109] : memref<100000x304xf32, #tpu.memory_space<hbm>> -> memref<100000x304xf32, #tpu.memory_space<hbm>>
        tpu.enqueue_indirect_dma source(%dma_start3A_110 : memref<100000x304xf32, #tpu.memory_space<hbm>>) target(%arg8 : memref<128x304xf32, #tpu.memory_space<vmem>>) offsets(%dma_start3A_107 : memref<128xi32, #tpu.memory_space<vmem>>) semaphore(%arg10 : memref<!tpu.dma_semaphore, #tpu.memory_space<semaphore_mem>>)
      } else {
      }
      %add3A_66 = arith.constant 1 : i32
      %add3A_67 = arith.addi %add3A_39, %add3A_66 : i32
      %dma_wait3A_68 = arith.constant 0 : i32
      %dma_wait3A_69 = tpu.memref_slice %arg6[%add3A_67, %dma_wait3A_68] : memref<50x128xi32, #tpu.memory_space<vmem>> -> memref<1x128xi32, #tpu.memory_space<vmem>>
      %dma_wait3A_70 = tpu.memref_squeeze %dma_wait3A_69 : memref<1x128xi32, #tpu.memory_space<vmem>> -> memref<128xi32, #tpu.memory_space<vmem>>
      %dma_wait3A_71 = arith.constant 0 : i32
      %dma_wait3A_72 = arith.constant 0 : i32
      %dma_wait3A_73 = tpu.memref_slice %arg4[%dma_wait3A_71, %dma_wait3A_72] : memref<100000x304xf32, #tpu.memory_space<hbm>> -> memref<100000x304xf32, #tpu.memory_space<hbm>>
      tpu.wait_indirect_dma semaphore(%arg11 : memref<!tpu.dma_semaphore, #tpu.memory_space<semaphore_mem>>) src(%dma_wait3A_73 : memref<100000x304xf32, #tpu.memory_space<hbm>>) dst(%arg9 : memref<128x304xf32, #tpu.memory_space<vmem>>)
      %iota3A_74 = tpu.iota {dimensions = array<i32: 0>} : vector<16xi32>
      %scan3A_75 = arith.constant 0 : i32
      %scan3A_76 = arith.constant 0 : i32
      %scan3A_77 = arith.constant 8 : i32
      %scan3A_78 = arith.addi %scan3A_76, %scan3A_77 : i32
      %scan3A_79 = arith.constant 1 : i32
      %scan3A_80 = scf.for %scan3A_96 = %scan3A_76 to %scan3A_78 step %scan3A_79 iter_args(%scan3A_97 = %scan3A_75) -> (i32)  : i32 {
        %mul3A_98 = arith.constant 16 : i32
        %mul3A_99 = arith.muli %scan3A_96, %mul3A_98 : i32
        %get3A = arith.index_cast %add3A_67 : i32 to index
        %get3A_100 = arith.index_cast %mul3A_99 : i32 to index
        %get3A_101 = tpu.vector_load %arg6[%get3A, %get3A_100] {strides = array<i32>} : memref<50x128xi32, #tpu.memory_space<vmem>>, vector<16xi32>,
        %eq3A = arith.constant 0 : i32
        %eq3A_102 = vector.broadcast %eq3A : i32 to vector<16xi32>
        %eq3A_103 = arith.cmpi eq, %get3A_101, %eq3A_102 : vector<16xi32>
        %ge3A = arith.constant 99995 : i32
        %ge3A_104 = vector.broadcast %ge3A : i32 to vector<16xi32>
        %ge3A_105 = arith.cmpi sge, %get3A_101, %ge3A_104 : vector<16xi32>
        %or3A = arith.ori %eq3A_103, %ge3A_105 : vector<16xi1>
        %jit3A = arith.constant 1 : i32
        %jit3A_106 = arith.constant 0 : i32
        %broadcast_in_dim3A = vector.broadcast %jit3A : i32 to vector<16xi32>
        %broadcast_in_dim3A_107 = vector.broadcast %jit3A_106 : i32 to vector<16xi32>
        %select_n3A = arith.select %or3A, %broadcast_in_dim3A, %broadcast_in_dim3A_107 : vector<16xi1>, vector<16xi32>
        %reduce_sum3A = arith.constant true
        %reduce_sum3A_108 = vector.broadcast %reduce_sum3A : i1 to vector<16xi1>
        %reduce_sum3A_109 = tpu.scan <sum>, %select_n3A masked %reduce_sum3A_108 : vector<16xi32>, vector<16xi1> -> vector<16xi32>
        %reduce_sum3A_110 = vector.extract %reduce_sum3A_109[15] : i32 from vector<16xi32>
        %gt3A = arith.constant 0 : i32
        %gt3A_111 = arith.cmpi sgt, %reduce_sum3A_110, %gt3A : i32
        %convert_element_type3A_112 = arith.extui %gt3A_111 : i1 to i32
        %cond3A_113 = arith.constant 0 : i32
        %cond3A_114 = arith.cmpi ne, %convert_element_type3A_112, %cond3A_113 : i32
        scf.if %cond3A_114 {
          %sub3A = arith.constant 99995 : i32
          %sub3A_116 = vector.broadcast %sub3A : i32 to vector<16xi32>
          %sub3A_117 = arith.subi %get3A_101, %sub3A_116 : vector<16xi32>
          %add3A_118 = arith.constant 1 : i32
          %add3A_119 = vector.broadcast %add3A_118 : i32 to vector<16xi32>
          %add3A_120 = arith.addi %sub3A_117, %add3A_119 : vector<16xi32>
          %jit3A_121 = arith.constant 0 : i32
          %broadcast_in_dim3A_122 = vector.broadcast %jit3A_121 : i32 to vector<16xi32>
          %select_n3A_123 = arith.select %ge3A_105, %add3A_120, %broadcast_in_dim3A_122 : vector<16xi1>, vector<16xi32>
          %scan3A_124 = arith.constant 0 : i32
          %scan3A_125 = arith.constant 0 : i32
          %scan3A_126 = arith.constant 16 : i32
          %scan3A_127 = arith.addi %scan3A_125, %scan3A_126 : i32
          %scan3A_128 = arith.constant 1 : i32
          %scan3A_129 = scf.for %scan3A_131 = %scan3A_125 to %scan3A_127 step %scan3A_128 iter_args(%scan3A_132 = %scan3A_124) -> (i32)  : i32 {
            %eq3A_133 = vector.broadcast %scan3A_131 : i32 to vector<16xi32>
            %eq3A_134 = arith.cmpi eq, %iota3A_74, %eq3A_133 : vector<16xi32>
            %jit3A_135 = arith.constant 1 : i32
            %jit3A_136 = arith.constant 0 : i32
            %broadcast_in_dim3A_137 = vector.broadcast %jit3A_135 : i32 to vector<16xi32>
            %broadcast_in_dim3A_138 = vector.broadcast %jit3A_136 : i32 to vector<16xi32>
            %select_n3A_139 = arith.select %eq3A_134, %broadcast_in_dim3A_137, %broadcast_in_dim3A_138 : vector<16xi1>, vector<16xi32>
            %mul3A_140 = arith.muli %select_n3A_139, %select_n3A : vector<16xi32>
            %reduce_sum3A_141 = arith.constant true
            %reduce_sum3A_142 = vector.broadcast %reduce_sum3A_141 : i1 to vector<16xi1>
            %reduce_sum3A_143 = tpu.scan <sum>, %mul3A_140 masked %reduce_sum3A_142 : vector<16xi32>, vector<16xi1> -> vector<16xi32>
            %reduce_sum3A_144 = vector.extract %reduce_sum3A_143[15] : i32 from vector<16xi32>
            %gt3A_145 = arith.constant 0 : i32
            %gt3A_146 = arith.cmpi sgt, %reduce_sum3A_144, %gt3A_145 : i32
            %convert_element_type3A_147 = arith.extui %gt3A_146 : i1 to i32
            %cond3A_148 = arith.constant 0 : i32
            %cond3A_149 = arith.cmpi ne, %convert_element_type3A_147, %cond3A_148 : i32
            scf.if %cond3A_149 {
              %mul3A_151 = arith.muli %select_n3A_139, %select_n3A_123 : vector<16xi32>
              %reduce_sum3A_152 = arith.constant true
              %reduce_sum3A_153 = vector.broadcast %reduce_sum3A_152 : i1 to vector<16xi1>
              %reduce_sum3A_154 = tpu.scan <sum>, %mul3A_151 masked %reduce_sum3A_153 : vector<16xi32>, vector<16xi1> -> vector<16xi32>
              %reduce_sum3A_155 = vector.extract %reduce_sum3A_154[15] : i32 from vector<16xi32>
              %mul3A_156 = arith.constant 16 : i32
              %mul3A_157 = arith.muli %scan3A_96, %mul3A_156 : i32
              %add3A_158 = arith.addi %mul3A_157, %scan3A_131 : i32
              %get3A_159 = arith.index_cast %reduce_sum3A_155 : i32 to index
              %get3A_160 = arith.constant 0 : index
              %get3A_161 = tpu.vector_load %arg7[%get3A_159, %get3A_160] {strides = array<i32>} : memref<8x304xf32, #tpu.memory_space<vmem>>, vector<16xf32>,
              %swap3A = arith.index_cast %add3A_158 : i32 to index
              %swap3A_162 = arith.constant 0 : index
              %swap3A_163 = tpu.vector_load %arg9[%swap3A, %swap3A_162] {strides = array<i32>} : memref<128x304xf32, #tpu.memory_space<vmem>>, vector<16xf32>,
              tpu.vector_store %arg9[%swap3A, %swap3A_162], %get3A_161 {strides = array<i32>} : memref<128x304xf32, #tpu.memory_space<vmem>>, vector<16xf32>,
              %get3A_164 = arith.index_cast %reduce_sum3A_155 : i32 to index
              %get3A_165 = arith.constant 16 : index
              %get3A_166 = tpu.vector_load %arg7[%get3A_164, %get3A_165] {strides = array<i32>} : memref<8x304xf32, #tpu.memory_space<vmem>>, vector<16xf32>,
              %swap3A_167 = arith.index_cast %add3A_158 : i32 to index
              %swap3A_168 = arith.constant 16 : index
              %swap3A_169 = tpu.vector_load %arg9[%swap3A_167, %swap3A_168] {strides = array<i32>} : memref<128x304xf32, #tpu.memory_space<vmem>>, vector<16xf32>,
              tpu.vector_store %arg9[%swap3A_167, %swap3A_168], %get3A_166 {strides = array<i32>} : memref<128x304xf32, #tpu.memory_space<vmem>>, vector<16xf32>,
              %get3A_170 = arith.index_cast %reduce_sum3A_155 : i32 to index
              %get3A_171 = arith.constant 32 : index
              %get3A_172 = tpu.vector_load %arg7[%get3A_170, %get3A_171] {strides = array<i32>} : memref<8x304xf32, #tpu.memory_space<vmem>>, vector<16xf32>,
              %swap3A_173 = arith.index_cast %add3A_158 : i32 to index
              %swap3A_174 = arith.constant 32 : index
              %swap3A_175 = tpu.vector_load %arg9[%swap3A_173, %swap3A_174] {strides = array<i32>} : memref<128x304xf32, #tpu.memory_space<vmem>>, vector<16xf32>,
              tpu.vector_store %arg9[%swap3A_173, %swap3A_174], %get3A_172 {strides = array<i32>} : memref<128x304xf32, #tpu.memory_space<vmem>>, vector<16xf32>,
              %get3A_176 = arith.index_cast %reduce_sum3A_155 : i32 to index
              %get3A_177 = arith.constant 48 : index
              %get3A_178 = tpu.vector_load %arg7[%get3A_176, %get3A_177] {strides = array<i32>} : memref<8x304xf32, #tpu.memory_space<vmem>>, vector<16xf32>,
              %swap3A_179 = arith.index_cast %add3A_158 : i32 to index
              %swap3A_180 = arith.constant 48 : index
              %swap3A_181 = tpu.vector_load %arg9[%swap3A_179, %swap3A_180] {strides = array<i32>} : memref<128x304xf32, #tpu.memory_space<vmem>>, vector<16xf32>,
              tpu.vector_store %arg9[%swap3A_179, %swap3A_180], %get3A_178 {strides = array<i32>} : memref<128x304xf32, #tpu.memory_space<vmem>>, vector<16xf32>,
              %get3A_182 = arith.index_cast %reduce_sum3A_155 : i32 to index
              %get3A_183 = arith.constant 64 : index
              %get3A_184 = tpu.vector_load %arg7[%get3A_182, %get3A_183] {strides = array<i32>} : memref<8x304xf32, #tpu.memory_space<vmem>>, vector<16xf32>,
              %swap3A_185 = arith.index_cast %add3A_158 : i32 to index
              %swap3A_186 = arith.constant 64 : index
              %swap3A_187 = tpu.vector_load %arg9[%swap3A_185, %swap3A_186] {strides = array<i32>} : memref<128x304xf32, #tpu.memory_space<vmem>>, vector<16xf32>,
              tpu.vector_store %arg9[%swap3A_185, %swap3A_186], %get3A_184 {strides = array<i32>} : memref<128x304xf32, #tpu.memory_space<vmem>>, vector<16xf32>,
              %get3A_188 = arith.index_cast %reduce_sum3A_155 : i32 to index
              %get3A_189 = arith.constant 80 : index
              %get3A_190 = tpu.vector_load %arg7[%get3A_188, %get3A_189] {strides = array<i32>} : memref<8x304xf32, #tpu.memory_space<vmem>>, vector<16xf32>,
              %swap3A_191 = arith.index_cast %add3A_158 : i32 to index
              %swap3A_192 = arith.constant 80 : index
              %swap3A_193 = tpu.vector_load %arg9[%swap3A_191, %swap3A_192] {strides = array<i32>} : memref<128x304xf32, #tpu.memory_space<vmem>>, vector<16xf32>,
              tpu.vector_store %arg9[%swap3A_191, %swap3A_192], %get3A_190 {strides = array<i32>} : memref<128x304xf32, #tpu.memory_space<vmem>>, vector<16xf32>,
              %get3A_194 = arith.index_cast %reduce_sum3A_155 : i32 to index
              %get3A_195 = arith.constant 96 : index
              %get3A_196 = tpu.vector_load %arg7[%get3A_194, %get3A_195] {strides = array<i32>} : memref<8x304xf32, #tpu.memory_space<vmem>>, vector<16xf32>,
              %swap3A_197 = arith.index_cast %add3A_158 : i32 to index
              %swap3A_198 = arith.constant 96 : index
              %swap3A_199 = tpu.vector_load %arg9[%swap3A_197, %swap3A_198] {strides = array<i32>} : memref<128x304xf32, #tpu.memory_space<vmem>>, vector<16xf32>,
              tpu.vector_store %arg9[%swap3A_197, %swap3A_198], %get3A_196 {strides = array<i32>} : memref<128x304xf32, #tpu.memory_space<vmem>>, vector<16xf32>,
              %get3A_200 = arith.index_cast %reduce_sum3A_155 : i32 to index
              %get3A_201 = arith.constant 112 : index
              %get3A_202 = tpu.vector_load %arg7[%get3A_200, %get3A_201] {strides = array<i32>} : memref<8x304xf32, #tpu.memory_space<vmem>>, vector<16xf32>,
              %swap3A_203 = arith.index_cast %add3A_158 : i32 to index
              %swap3A_204 = arith.constant 112 : index
              %swap3A_205 = tpu.vector_load %arg9[%swap3A_203, %swap3A_204] {strides = array<i32>} : memref<128x304xf32, #tpu.memory_space<vmem>>, vector<16xf32>,
              tpu.vector_store %arg9[%swap3A_203, %swap3A_204], %get3A_202 {strides = array<i32>} : memref<128x304xf32, #tpu.memory_space<vmem>>, vector<16xf32>,
              %get3A_206 = arith.index_cast %reduce_sum3A_155 : i32 to index
              %get3A_207 = arith.constant 128 : index
              %get3A_208 = tpu.vector_load %arg7[%get3A_206, %get3A_207] {strides = array<i32>} : memref<8x304xf32, #tpu.memory_space<vmem>>, vector<16xf32>,
              %swap3A_209 = arith.index_cast %add3A_158 : i32 to index
              %swap3A_210 = arith.constant 128 : index
              %swap3A_211 = tpu.vector_load %arg9[%swap3A_209, %swap3A_210] {strides = array<i32>} : memref<128x304xf32, #tpu.memory_space<vmem>>, vector<16xf32>,
              tpu.vector_store %arg9[%swap3A_209, %swap3A_210], %get3A_208 {strides = array<i32>} : memref<128x304xf32, #tpu.memory_space<vmem>>, vector<16xf32>,
              %get3A_212 = arith.index_cast %reduce_sum3A_155 : i32 to index
              %get3A_213 = arith.constant 144 : index
              %get3A_214 = tpu.vector_load %arg7[%get3A_212, %get3A_213] {strides = array<i32>} : memref<8x304xf32, #tpu.memory_space<vmem>>, vector<16xf32>,
              %swap3A_215 = arith.index_cast %add3A_158 : i32 to index
              %swap3A_216 = arith.constant 144 : index
              %swap3A_217 = tpu.vector_load %arg9[%swap3A_215, %swap3A_216] {strides = array<i32>} : memref<128x304xf32, #tpu.memory_space<vmem>>, vector<16xf32>,
              tpu.vector_store %arg9[%swap3A_215, %swap3A_216], %get3A_214 {strides = array<i32>} : memref<128x304xf32, #tpu.memory_space<vmem>>, vector<16xf32>,
              %get3A_218 = arith.index_cast %reduce_sum3A_155 : i32 to index
              %get3A_219 = arith.constant 160 : index
              %get3A_220 = tpu.vector_load %arg7[%get3A_218, %get3A_219] {strides = array<i32>} : memref<8x304xf32, #tpu.memory_space<vmem>>, vector<16xf32>,
              %swap3A_221 = arith.index_cast %add3A_158 : i32 to index
              %swap3A_222 = arith.constant 160 : index
              %swap3A_223 = tpu.vector_load %arg9[%swap3A_221, %swap3A_222] {strides = array<i32>} : memref<128x304xf32, #tpu.memory_space<vmem>>, vector<16xf32>,
              tpu.vector_store %arg9[%swap3A_221, %swap3A_222], %get3A_220 {strides = array<i32>} : memref<128x304xf32, #tpu.memory_space<vmem>>, vector<16xf32>,
              %get3A_224 = arith.index_cast %reduce_sum3A_155 : i32 to index
              %get3A_225 = arith.constant 176 : index
              %get3A_226 = tpu.vector_load %arg7[%get3A_224, %get3A_225] {strides = array<i32>} : memref<8x304xf32, #tpu.memory_space<vmem>>, vector<16xf32>,
              %swap3A_227 = arith.index_cast %add3A_158 : i32 to index
              %swap3A_228 = arith.constant 176 : index
              %swap3A_229 = tpu.vector_load %arg9[%swap3A_227, %swap3A_228] {strides = array<i32>} : memref<128x304xf32, #tpu.memory_space<vmem>>, vector<16xf32>,
              tpu.vector_store %arg9[%swap3A_227, %swap3A_228], %get3A_226 {strides = array<i32>} : memref<128x304xf32, #tpu.memory_space<vmem>>, vector<16xf32>,
              %get3A_230 = arith.index_cast %reduce_sum3A_155 : i32 to index
              %get3A_231 = arith.constant 192 : index
              %get3A_232 = tpu.vector_load %arg7[%get3A_230, %get3A_231] {strides = array<i32>} : memref<8x304xf32, #tpu.memory_space<vmem>>, vector<16xf32>,
              %swap3A_233 = arith.index_cast %add3A_158 : i32 to index
              %swap3A_234 = arith.constant 192 : index
              %swap3A_235 = tpu.vector_load %arg9[%swap3A_233, %swap3A_234] {strides = array<i32>} : memref<128x304xf32, #tpu.memory_space<vmem>>, vector<16xf32>,
              tpu.vector_store %arg9[%swap3A_233, %swap3A_234], %get3A_232 {strides = array<i32>} : memref<128x304xf32, #tpu.memory_space<vmem>>, vector<16xf32>,
              %get3A_236 = arith.index_cast %reduce_sum3A_155 : i32 to index
              %get3A_237 = arith.constant 208 : index
              %get3A_238 = tpu.vector_load %arg7[%get3A_236, %get3A_237] {strides = array<i32>} : memref<8x304xf32, #tpu.memory_space<vmem>>, vector<16xf32>,
              %swap3A_239 = arith.index_cast %add3A_158 : i32 to index
              %swap3A_240 = arith.constant 208 : index
              %swap3A_241 = tpu.vector_load %arg9[%swap3A_239, %swap3A_240] {strides = array<i32>} : memref<128x304xf32, #tpu.memory_space<vmem>>, vector<16xf32>,
              tpu.vector_store %arg9[%swap3A_239, %swap3A_240], %get3A_238 {strides = array<i32>} : memref<128x304xf32, #tpu.memory_space<vmem>>, vector<16xf32>,
              %get3A_242 = arith.index_cast %reduce_sum3A_155 : i32 to index
              %get3A_243 = arith.constant 224 : index
              %get3A_244 = tpu.vector_load %arg7[%get3A_242, %get3A_243] {strides = array<i32>} : memref<8x304xf32, #tpu.memory_space<vmem>>, vector<16xf32>,
              %swap3A_245 = arith.index_cast %add3A_158 : i32 to index
              %swap3A_246 = arith.constant 224 : index
              %swap3A_247 = tpu.vector_load %arg9[%swap3A_245, %swap3A_246] {strides = array<i32>} : memref<128x304xf32, #tpu.memory_space<vmem>>, vector<16xf32>,
              tpu.vector_store %arg9[%swap3A_245, %swap3A_246], %get3A_244 {strides = array<i32>} : memref<128x304xf32, #tpu.memory_space<vmem>>, vector<16xf32>,
              %get3A_248 = arith.index_cast %reduce_sum3A_155 : i32 to index
              %get3A_249 = arith.constant 240 : index
              %get3A_250 = tpu.vector_load %arg7[%get3A_248, %get3A_249] {strides = array<i32>} : memref<8x304xf32, #tpu.memory_space<vmem>>, vector<16xf32>,
              %swap3A_251 = arith.index_cast %add3A_158 : i32 to index
              %swap3A_252 = arith.constant 240 : index
              %swap3A_253 = tpu.vector_load %arg9[%swap3A_251, %swap3A_252] {strides = array<i32>} : memref<128x304xf32, #tpu.memory_space<vmem>>, vector<16xf32>,
              tpu.vector_store %arg9[%swap3A_251, %swap3A_252], %get3A_250 {strides = array<i32>} : memref<128x304xf32, #tpu.memory_space<vmem>>, vector<16xf32>,
              %get3A_254 = arith.index_cast %reduce_sum3A_155 : i32 to index
              %get3A_255 = arith.constant 256 : index
              %get3A_256 = tpu.vector_load %arg7[%get3A_254, %get3A_255] {strides = array<i32>} : memref<8x304xf32, #tpu.memory_space<vmem>>, vector<16xf32>,
              %swap3A_257 = arith.index_cast %add3A_158 : i32 to index
              %swap3A_258 = arith.constant 256 : index
              %swap3A_259 = tpu.vector_load %arg9[%swap3A_257, %swap3A_258] {strides = array<i32>} : memref<128x304xf32, #tpu.memory_space<vmem>>, vector<16xf32>,
              tpu.vector_store %arg9[%swap3A_257, %swap3A_258], %get3A_256 {strides = array<i32>} : memref<128x304xf32, #tpu.memory_space<vmem>>, vector<16xf32>,
              %get3A_260 = arith.index_cast %reduce_sum3A_155 : i32 to index
              %get3A_261 = arith.constant 272 : index
              %get3A_262 = tpu.vector_load %arg7[%get3A_260, %get3A_261] {strides = array<i32>} : memref<8x304xf32, #tpu.memory_space<vmem>>, vector<16xf32>,
              %swap3A_263 = arith.index_cast %add3A_158 : i32 to index
              %swap3A_264 = arith.constant 272 : index
              %swap3A_265 = tpu.vector_load %arg9[%swap3A_263, %swap3A_264] {strides = array<i32>} : memref<128x304xf32, #tpu.memory_space<vmem>>, vector<16xf32>,
              tpu.vector_store %arg9[%swap3A_263, %swap3A_264], %get3A_262 {strides = array<i32>} : memref<128x304xf32, #tpu.memory_space<vmem>>, vector<16xf32>,
              %get3A_266 = arith.index_cast %reduce_sum3A_155 : i32 to index
              %get3A_267 = arith.constant 288 : index
              %get3A_268 = tpu.vector_load %arg7[%get3A_266, %get3A_267] {strides = array<i32>} : memref<8x304xf32, #tpu.memory_space<vmem>>, vector<16xf32>,
              %swap3A_269 = arith.index_cast %add3A_158 : i32 to index
              %swap3A_270 = arith.constant 288 : index
              %swap3A_271 = tpu.vector_load %arg9[%swap3A_269, %swap3A_270] {strides = array<i32>} : memref<128x304xf32, #tpu.memory_space<vmem>>, vector<16xf32>,
              tpu.vector_store %arg9[%swap3A_269, %swap3A_270], %get3A_268 {strides = array<i32>} : memref<128x304xf32, #tpu.memory_space<vmem>>, vector<16xf32>,
            } else {
            }
            %scan3A_150 = arith.constant 0 : i32
            scf.yield %scan3A_150 : i32
          }
          %scan3A_130 = arith.constant 16 : i32
        } else {
        }
        %scan3A_115 = arith.constant 0 : i32
        scf.yield %scan3A_115 : i32
      }
      %scan3A_81 = arith.constant 8 : i32
      %add3A_82 = arith.addi %mul3A_2, %add3A_67 : i32
      %mul3A_83 = arith.constant 128 : i32
      %mul3A_84 = arith.muli %add3A_82, %mul3A_83 : i32
      %dma_start3A_85 = arith.constant 0 : i32
      %dma_start3A_86 = tpu.memref_slice %arg5[%mul3A_84, %dma_start3A_85] : memref<204800x304xf32, #tpu.memory_space<hbm>> -> memref<128x304xf32, #tpu.memory_space<hbm>>
      %dma_start3A_87 = arith.constant 0 : i32
      %dma_start3A_88 = tpu.memref_slice %arg5[%mul3A_84, %dma_start3A_87] : memref<204800x304xf32, #tpu.memory_space<hbm>> -> memref<128x304xf32, #tpu.memory_space<hbm>>
      tpu.enqueue_dma source(%arg9 : memref<128x304xf32, #tpu.memory_space<vmem>>) target(%dma_start3A_88 : memref<128x304xf32, #tpu.memory_space<hbm>>) target_semaphore(%arg13 : memref<!tpu.dma_semaphore, #tpu.memory_space<semaphore_mem>>)
      %add3A_89 = arith.constant 2 : i32
      %add3A_90 = arith.addi %add3A_67, %add3A_89 : i32
      %lt3A_91 = arith.constant 50 : i32
      %lt3A_92 = arith.cmpi slt, %add3A_90, %lt3A_91 : i32
      %convert_element_type3A_93 = arith.extui %lt3A_92 : i1 to i32
      %cond3A_94 = arith.constant 0 : i32
      %cond3A_95 = arith.cmpi ne, %convert_element_type3A_93, %cond3A_94 : i32
      scf.if %cond3A_95 {
        %add3A_96 = arith.addi %mul3A_2, %add3A_67 : i32
        %mul3A_97 = arith.constant 128 : i32
        %mul3A_98 = arith.muli %add3A_96, %mul3A_97 : i32
        %dma_wait3A_99 = arith.constant 0 : i32
        %dma_wait3A_100 = tpu.memref_slice %arg5[%mul3A_98, %dma_wait3A_99] : memref<204800x304xf32, #tpu.memory_space<hbm>> -> memref<128x304xf32, #tpu.memory_space<hbm>>
        %dma_wait3A_101 = arith.constant 0 : i32
        %dma_wait3A_102 = tpu.memref_slice %arg5[%mul3A_98, %dma_wait3A_101] : memref<204800x304xf32, #tpu.memory_space<hbm>> -> memref<128x304xf32, #tpu.memory_space<hbm>>
        tpu.wait_dma2 semaphore(%arg13 : memref<!tpu.dma_semaphore, #tpu.memory_space<semaphore_mem>>) src(%arg9 : memref<128x304xf32, #tpu.memory_space<vmem>>) dst(%dma_wait3A_102 : memref<128x304xf32, #tpu.memory_space<hbm>>)
        %add3A_103 = arith.constant 2 : i32
        %add3A_104 = arith.addi %add3A_67, %add3A_103 : i32
        %dma_start3A_105 = arith.constant 0 : i32
        %dma_start3A_106 = tpu.memref_slice %arg6[%add3A_104, %dma_start3A_105] : memref<50x128xi32, #tpu.memory_space<vmem>> -> memref<1x128xi32, #tpu.memory_space<vmem>>
        %dma_start3A_107 = tpu.memref_squeeze %dma_start3A_106 : memref<1x128xi32, #tpu.memory_space<vmem>> -> memref<128xi32, #tpu.memory_space<vmem>>
        %dma_start3A_108 = arith.constant 0 : i32
        %dma_start3A_109 = arith.constant 0 : i32
        %dma_start3A_110 = tpu.memref_slice %arg4[%dma_start3A_108, %dma_start3A_109] : memref<100000x304xf32, #tpu.memory_space<hbm>> -> memref<100000x304xf32, #tpu.memory_space<hbm>>
        tpu.enqueue_indirect_dma source(%dma_start3A_110 : memref<100000x304xf32, #tpu.memory_space<hbm>>) target(%arg9 : memref<128x304xf32, #tpu.memory_space<vmem>>) offsets(%dma_start3A_107 : memref<128xi32, #tpu.memory_space<vmem>>) semaphore(%arg11 : memref<!tpu.dma_semaphore, #tpu.memory_space<semaphore_mem>>)
      } else {
      }
    }
    %scan3A_19 = arith.constant 25 : i32
    %add3A_20 = arith.constant 48 : i32
    %add3A_21 = arith.addi %mul3A_2, %add3A_20 : i32
    %mul3A_22 = arith.constant 128 : i32
    %mul3A_23 = arith.muli %add3A_21, %mul3A_22 : i32
    %dma_wait3A = arith.constant 0 : i32
    %dma_wait3A_24 = tpu.memref_slice %arg5[%mul3A_23, %dma_wait3A] : memref<204800x304xf32, #tpu.memory_space<hbm>> -> memref<128x304xf32, #tpu.memory_space<hbm>>
    %dma_wait3A_25 = arith.constant 0 : i32
    %dma_wait3A_26 = tpu.memref_slice %arg5[%mul3A_23, %dma_wait3A_25] : memref<204800x304xf32, #tpu.memory_space<hbm>> -> memref<128x304xf32, #tpu.memory_space<hbm>>
    tpu.wait_dma2 semaphore(%arg12 : memref<!tpu.dma_semaphore, #tpu.memory_space<semaphore_mem>>) src(%arg8 : memref<128x304xf32, #tpu.memory_space<vmem>>) dst(%dma_wait3A_26 : memref<128x304xf32, #tpu.memory_space<hbm>>)
    %add3A_27 = arith.constant 49 : i32
    %add3A_28 = arith.addi %mul3A_2, %add3A_27 : i32
    %mul3A_29 = arith.constant 128 : i32
    %mul3A_30 = arith.muli %add3A_28, %mul3A_29 : i32
    %dma_wait3A_31 = arith.constant 0 : i32
    %dma_wait3A_32 = tpu.memref_slice %arg5[%mul3A_30, %dma_wait3A_31] : memref<204800x304xf32, #tpu.memory_space<hbm>> -> memref<128x304xf32, #tpu.memory_space<hbm>>
    %dma_wait3A_33 = arith.constant 0 : i32
    %dma_wait3A_34 = tpu.memref_slice %arg5[%mul3A_30, %dma_wait3A_33] : memref<204800x304xf32, #tpu.memory_space<hbm>> -> memref<128x304xf32, #tpu.memory_space<hbm>>
    tpu.wait_dma2 semaphore(%arg13 : memref<!tpu.dma_semaphore, #tpu.memory_space<semaphore_mem>>) src(%arg9 : memref<128x304xf32, #tpu.memory_space<vmem>>) dst(%dma_wait3A_34 : memref<128x304xf32, #tpu.memory_space<hbm>>)
    return
  }
}

</mosaic_0001>

<sc_bundles>
// kernel: _run.3.cloned.1.call-start
scs
__scs_entry_jumppad:
0x0: {  	(pc) =	sbr.rel $0x88, $3  }
0x1: {  	(tag) =	ssettag $0x0;
	lr =	simm.s32 $0x1  }
0x2: {  	[smem:$0x3F9E] =	sst lr;
	_ =	strace $0xD0000000  }
0x3: {  	_ = 	snop  }
0x4: {  	_ = 	snop  }
0x5: {  	_ = 	snop  }
0x6: {  	_ = 	snop  }
0x7: {  	_ = 	snop  }
__scs_overlays_trampoline_lowered:
0x8: {  	[smem:$0x3FAD] =	sst s0  }
0x9: {  	[smem:$0x3FAE] =	sst s1  }
0xa: {  	[smem:$0x3FAF] =	sst s2  }
0xb: {  	[smem:$0x3FB0] =	sst s3  }
0xc: {  	[smem:$0x3FB1] =	sst s4  }
0xd: {  	[smem:$0x3FB2] =	sst s5  }
0xe: {  	[smem:$0x3FB3] =	sst s6  }
0xf: {  	[smem:$0x3FB4] =	sst s7  }
0x10: {  	[smem:$0x3FB5] =	sst s8  }
0x11: {  	[smem:$0x3FB6] =	sst s9;
	s0 =	simm.s32 @!p0 $0x0  }
0x12: {  	s1 =	sld [smem:$0x3F9C];
	s0 =	simm.s32 @p0 $0x1  }
0x13: {  	[smem:$0x3FB7] =	sst s0;
	s0 =	simm.s32 @!p1 $0x0  }
0x14: {  	s2 =	sld [smem:$0x3F9B];
	s0 =	simm.s32 @p1 $0x1  }
0x15: {  	[smem:$0x3FB8] =	sst s0;
	s0 =	simm.s32 @!p2 $0x0  }
0x16: {  	s3 =	sld [smem:$0x3FDB];
	s0 =	simm.s32 @p2 $0x1  }
0x17: {  	s4 =	simm.s32 $0x1BF5;
	[smem:$0x3FBA] =	sst s0  }
0x18: {  	s0 =	sld [smem:$0x3F9D];
	_ =	swait.ge [sflag:s4], $0x0  }
0x19: {  	s7 =	sld [smem:$0x3F9E]  }
0x1a: {  	s8 =	sadd.s32 $0xFFFFE003, lr  }
0x1b: {  	s9 =	sadd.s32 $0xFFFFFEF7, lr;
	s5 =	simm.s32 $0xFFFFFFFF;
	p2 =	slt.u32 s8, $0xFFFFF086  }
0x1c: {  	p1 =	slt.u32 s9, $0xF7A;
	s5 =	simm.s32 @!p2 $0x0  }
0x1d: {  	s5 =	simm.s32 @p1 $0x1;
	p0 =	seq.s32 s7, s2  }
0x1e: {  	s7 =	smul.u32 @!p0 $0xF7A, s2;
	p2 =	seq.s32 @!p0 s5, $0x0  }
0x1f: {  	s9 =	smul.u32 $0xF7A, s1;
	s8 =	simm.s32 @!p0 $0x1BF5;
	p2 =	por !p2, p0  }
0x20: {  	[sflag:s8] =	ssyncset.s32 @!p0 $0xFFFFF086;
	s6 =	sadd.s32 @!p0 s3, s7;
	s7 =	simm.s32 @!p0 $0x108  }
0x21: {  	s3 =	sadd.s32 s3, s9;
	s6 =	sadd.s32 @!p0 $0x88, s6;
	s7 =	simm.s32 @p2 $0x1082  }
0x22: {  	[simem:s7], [sflag:s8] =	dma.local @!p0 [hbm:s6], $0xF7A  }
0x23: {  	s9 =	sor.u32 $0xD0000000, s2;
	s6 =	simm.s32 $0x108;
	_ =	swait.ge @!p0 [sflag:s8], $0x0  }
0x24: {  	s3 =	sadd.s32 $0x88, s3;
	s6 =	simm.s32 @!p1 $0x1082;
	[sflag:s4] =	ssyncset.s32 $0xFFFFF086  }
0x25: {  	[simem:s6], [sflag:s4] =	dma.local [hbm:s3], $0xF7A  }
0x26: {  	[smem:$0x3F9E] =	sst s1;
	(tag) =	ssettag s2;
	_ =	strace s9  }
0x27: {  	s1 =	sld [smem:$0x3FAE]  }
0x28: {  	s2 =	sld [smem:$0x3FAF]  }
0x29: {  	s4 =	sld [smem:$0x3FB1]  }
0x2a: {  	p0 =	seq.s32 s5, $0x0;
	s5 =	sld [smem:$0x3FB2]  }
0x2b: {  	s6 =	sld [smem:$0x3FB3]  }
0x2c: {  	s7 =	sld [smem:$0x3FB4]  }
0x2d: {  	s3 =	simm.s32 $0x108;
	s8 =	sld [smem:$0x3FB5]  }
0x2e: {  	s3 =	simm.s32 @!p0 $0x1082;
	s9 =	sld [smem:$0x3FB6]  }
0x2f: {  	lr =	sadd.s32 s0, s3;
	s0 =	sld [smem:$0x3FAD]  }
0x30: {  	s3 =	sld [smem:$0x3FB0]  }
0x31: {  	[smem:$0x3FB9] =	sst s10  }
0x32: {  	s10 =	sld [smem:$0x3FB7];
	_ =	sdelay $0x3  }
0x33: {  	p0 =	seq.s32 s10, $0x1;
	s10 =	sld [smem:$0x3FB9];
	_ =	sdelay $0x3  }
0x34: {  	[smem:$0x3FB9] =	sst s10  }
0x35: {  	s10 =	sld [smem:$0x3FB8];
	_ =	sdelay $0x3  }
0x36: {  	p1 =	seq.s32 s10, $0x1;
	s10 =	sld [smem:$0x3FB9];
	_ =	sdelay $0x3  }
0x37: {  	[smem:$0x3FB9] =	sst s10  }
0x38: {  	s10 =	sld [smem:$0x3FBA]  }
0x39: {  	_ = 	snop;
	(pc) =	sbr.ind lr, $3  }
0x3a: {  	_ = 	snop  }
0x3b: {  	_ = 	snop  }
0x3c: {  	p2 =	seq.s32 s10, $0x1;
	s10 =	sld [smem:$0x3FB9]  }
0x3d: {  	_ =	shalt  }
0x3e: {  	_ =	shalt  }
0x3f: {  	_ =	shalt  }
0x40: {  	_ =	shalt  }
0x41: {  	_ =	shalt  }
0x42: {  	_ =	shalt  }
0x43: {  	_ =	shalt  }
0x44: {  	_ =	shalt  }
0x45: {  	_ =	shalt  }
0x46: {  	_ =	shalt  }
0x47: {  	_ =	shalt  }
0x48: {  	_ =	shalt  }
0x49: {  	_ =	shalt  }
0x4a: {  	_ =	shalt  }
0x4b: {  	_ =	shalt  }
0x4c: {  	_ =	shalt  }
0x4d: {  	_ =	shalt  }
0x4e: {  	_ =	shalt  }
0x4f: {  	_ =	shalt  }
0x50: {  	_ =	shalt  }
0x51: {  	_ =	shalt  }
0x52: {  	_ =	shalt  }
0x53: {  	_ =	shalt  }
0x54: {  	_ =	shalt  }
0x55: {  	_ =	shalt  }
0x56: {  	_ =	shalt  }
0x57: {  	_ =	shalt  }
0x58: {  	_ =	shalt  }
0x59: {  	_ =	shalt  }
0x5a: {  	_ =	shalt  }
0x5b: {  	_ =	shalt  }
0x5c: {  	_ =	shalt  }
0x5d: {  	_ =	shalt  }
0x5e: {  	_ =	shalt  }
0x5f: {  	_ =	shalt  }
0x60: {  	_ =	shalt  }
0x61: {  	_ =	shalt  }
0x62: {  	_ =	shalt  }
0x63: {  	_ =	shalt  }
0x64: {  	_ =	shalt  }
0x65: {  	_ =	shalt  }
0x66: {  	_ =	shalt  }
0x67: {  	_ =	shalt  }
0x68: {  	_ =	shalt  }
0x69: {  	_ =	shalt  }
0x6a: {  	_ =	shalt  }
0x6b: {  	_ =	shalt  }
0x6c: {  	_ =	shalt  }
0x6d: {  	_ =	shalt  }
0x6e: {  	_ =	shalt  }
0x6f: {  	_ =	shalt  }
0x70: {  	_ =	shalt  }
0x71: {  	_ =	shalt  }
0x72: {  	_ =	shalt  }
0x73: {  	_ =	shalt  }
0x74: {  	_ =	shalt  }
0x75: {  	_ =	shalt  }
0x76: {  	_ =	shalt  }
0x77: {  	_ =	shalt  }
0x78: {  	_ =	shalt  }
0x79: {  	_ =	shalt  }
0x7a: {  	_ =	shalt  }
0x7b: {  	_ =	shalt  }
0x7c: {  	_ =	shalt  }
0x7d: {  	_ =	shalt  }
0x7e: {  	_ =	shalt  }
0x7f: {  	_ =	shalt  }
0x80: {  	_ =	shalt  }
0x81: {  	_ =	shalt  }
0x82: {  	_ =	shalt  }
0x83: {  	_ =	shalt  }
0x84: {  	_ =	shalt  }
0x85: {  	_ =	shalt  }
0x86: {  	_ =	shalt  }
0x87: {  	_ =	shalt  }
.Lfunc_end0:
.L_simem_size_0:
called_computation.1_lowered:
.L_overlay_start_0:
0x88: {  	s2 =	sld [smem:$0x3FD9]  }
0x89: {  	s3 =	sld [smem:$0x3FFE];
	_ =	sdelay $0x1  }
0x8a: {  	s1 =	srdreg.scid  }
0x8b: {  	s0 =	sand.u32 $0x1, s1  }
0x8c: {  	s17 =	sshll.u32 s0, $0xA;
	s2 =	sadd.s32 s3, s2  }
0x8d: {  	s2 =	sadd.s32 s2, s17  }
0x8e: {  	[smem:$0x3FC5] =	sst s2  }
0x8f: {  	_ = 	snop  }
0x90: {  	s2 =	sld [smem:$0x3FC9]  }
0x91: {  	s18 =	sld [smem:$0x3FD0];
	(tm) =	ssettm $0x1  }
0x92: {  	s4 =	sld [smem:$0x3FFB];
	_ =	sdelay $0x3  }
0x93: {  	_ =	strace s4  }
0x94: {  	s4 =	sld [smem:$0x3FFC];
	_ =	sdelay $0x3  }
0x95: {  	_ =	strace s4  }
0x96: {  	s4 =	sld [smem:$0x3FFD];
	_ =	sdelay $0x3  }
0x97: {  	_ =	strace s4  }
0x98: {  	_ =	strace $0x8FFFFFFF  }
0x99: {  	s19 =	sld [smem:$0x3FDB];
	_ =	sdelay $0x1  }
0x9a: {  	s5 =	simm.s32 $_scs_section_size  }
0x9b: {  	s6 =	simm.s32 $_size__tile_overlayer_lowered;
	s7 =	simm.s32 $_tile_overlayer_lowered  }
0x9c: {  	s22 =	simm.s32 $0x1BFF;
	s21 =	sshll.u32 s7, $0x1;
	s4 =	sadd.s32 s5, s19  }
0x9d: {  	s8 =	simm.s32 $0x0;
	s20 =	sshll.u32 s6, $0x1;
	s6 =	sadd.s32 s21, s4  }
0x9e: {  	[timem:s8], [sflag:s22] =	dma.local [hbm:s6], s20  }
0x9f: {  	_ =	swait.ge [sflag:s22], s20  }
0xa0: {  	s5 =	ssub.s32 $0x0, s20;
	[sflag:s22] =	ssyncset.done $0x0  }
0xa1: {  	[sflag:s22] =	ssyncadd.s32 s5;
	_ =	sdelay $0x1  }
0xa2: {  	s23 =	simm.s32 $0x1B8B  }
0xa3: {  	_ =	swait.ge [sflag:s23], $0x1  }
0xa4: {  	[sflag:s23] =	ssyncset.done $0x0  }
0xa5: {  	s25 =	simm.s32 $0x1B8E;
	s24 =	sld [smem:$0x3FFE];
	[sflag:s23] =	ssyncadd.s32 $0xFFFFFFFF  }
0xa6: {  	s26 =	simm.s32 $execute0_lowered;
	[smem:$0x3FD2] =	sst s25  }
0xa7: {  	s6 =	sshll.u32 s26, $0x1;
	_ =	strace $0x80000046;
	[dreg:$0x1] =	wrdreg $0xFFFFFFFF  }
0xa8: {  	s28 =	simm.s32 $_size_execute0_lowered;
	s4 =	sadd.s32 s4, s6;
	[dreg:$0x0] =	wrdreg $0x0  }
0xa9: {  	s6 =	sshll.u32 s28, $0x1;
	[dreg:$0x2] =	wrdreg s4  }
0xaa: {  	[dreg:$0x3] =	wrdreg s6  }
0xab: {  	[dreg:$0x4] =	wrdreg $0xC0  }
0xac: {  	_ =	task [dreg:s8], $0x5FFFF  }
0xad: {  	[dreg:$0x1] =	wrdreg $0xFFFFFFFF  }
0xae: {  	[dreg:$0x0] =	wrdreg $0x60  }
0xaf: {  	[dreg:$0x2] =	wrdreg s2  }
0xb0: {  	[dreg:$0x3] =	wrdreg s24  }
0xb1: {  	[dreg:$0x4] =	wrdreg s18  }
0xb2: {  	[dreg:$0x5] =	wrdreg $0x9  }
0xb3: {  	_ =	task.clear_ibuf [dreg:s8], $0x6FFFF;
	_ =	strace $0x90000046  }
0xb4: {  	s29 =	simm.s32 $0x9;
	_ =	strace $0x80000048  }
0xb5: {  	_ =	swait.ge [sflag:s29], $0x1  }
0xb6: {  	[sflag:s29] =	ssyncadd.s32 $0xFFFFFFFF  }
0xb7: {  	_ =	strace $0x90000048  }
0xb8: {  	_ =	sfence  }
0xb9: {  	s30 =	sld [smem:$0x0];
	_ =	sdelay $0x2  }
0xba: {  	s31 =	sshll.u32 s1, $0xD;
	s1 =	sshrl.u32 s1, $0x2  }
0xbb: {  	s3 =	sand.u32 $0x4000, s31;
	s1 =	sadd.s32 s1, s30  }
0xbc: {  	s0 =	sor.u32 s3, s0;
	s1 =	sshll.u32 s1, $0x11  }
0xbd: {  	s0 =	sor.u32 s1, s0  }
0xbe: {  	s0 =	sadd.s32 $0x8F2B, s0  }
0xbf: {  	[sflag:s0] =	ssyncadd.remote.s32 $0x1  }
0xc0: {  	_ =	sfence.sel $0xFFFF  }
0xc1: {  	[dreg:$0x0] =	wrdreg $0xFFFFFFFF;
	(pc) =	sbr.abs _section_cstart, $3  }
0xc2: {  	[dreg:$0x1] =	wrdreg $0xFFFFFFFF  }
0xc3: {  	_ =	task.clear_ibuf [dreg:s8], $0x2FFFF;
	_ =	strace $0x9FFFFFFF  }
0xc4: {  	(tm) =	ssettm $0x7FFFFFFF  }
0xc5: {  	_ =	shalt  }
tec
execute0_lowered:
.L_overlay_start_1:
0x0: {  	(tag) =	ssettag $0x1  }
0x1: {  	s7 =	rddreg [dreg:$0x0]  }
0x2: {  	s5 =	rddreg [dreg:$0x1]  }
0x3: {  	s2 =	rddreg [dreg:$0x2]  }
0x4: {  	s0 =	rddreg [dreg:$0x3];
	s3 =	simm.s32 $0x0  }
0x5: {  	s4 =	srdreg.scid;
	s1 =	stileid.u32;
	s11 =	simm.s32 $0x80  }
0x6: {  	s12 =	simm.s32 $0x2280;
	s13 =	simm.s32 $0xBA80;
	s14 =	simm.s32 $0x1  }
0x7: {  	s15 =	simm.s32 $0x2;
	s16 =	simm.s32 $0x3;
	s17 =	simm.s32 $0x4  }
0x8: {  	s18 =	simm.s32 $0x0;
	[smem:$0x7FF] =	sst s3;
	s4 =	sand.u32 $0x1, s4  }
.Ltmp0:
0x9: {  	s6 =	sshll.u32 s1, $0x1;
	_ =	strace $0x80000047;
	(pc) =	sbr.rel .LBB2_1-.Ltmp0, $4  }
0xa: {  	s8 =	ssub.s32 $0x2, s4;
	s6 =	sor.u32 s4, s6;
	s4 =	sadd.s32 $0x800, s5  }
0xb: {  	s5 =	sadd.s32 $0xA00, s5;
	s9 =	sshrl.u32 s8, $0x1;
	s10 =	smul.u32 $0x320, s6  }
0xc: {  	s6 =	smul.u32 $0x32, s6;
	s8 =	ssub.s32 s8, s9;
	s9 =	simm.s32 $0x5  }
0xd: {  	v0 =	vimm.s32 $0x0;
	v1 =	vlaneseq.u32;
	s7 =	sadd.s32 s7, s10;
	s8 =	smax.u32 s8, $0x1;
	s10 =	simm.s32 $0x1900  }
.LBB2_16:
0xe: {  	s18 =	sadd.s32 $0x1, s18  }
0xf: {  	_ =	swait.ge [sflag:s16], $0x9800;
	p0 =	sne.s32 s18, s8  }
.Ltmp1:
0x10: {  	[sflag:s16] =	ssyncset.done $0x0;
	(pc) =	sbr.rel @!p0 .LBB2_17-.Ltmp1, $4  }
0x11: {  	[sflag:s16] =	ssyncadd.s32 $0xFFFF6800  }
0x12: {  	_ =	swait.ge [sflag:s17], $0x9800  }
0x13: {  	[sflag:s17] =	ssyncset.done $0x0  }
0x14: {  	[sflag:s17] =	ssyncadd.s32 $0xFFFF6800  }
.LBB2_1:
0x15: {  	[tilespmem:s3], [sflag:$0x5] =	stream.linear.gather [hbm4b:s7+s3], $0x1900, $0x38;
	[tilespmem:$0x15280] =	vst v63  }
0x16: {  	_ =	swait.ge [sflag:s9], $0x1900  }
0x17: {  	[sflag:s9] =	ssyncset.done $0x0  }
0x18: {  	[sflag:s9] =	ssyncadd.s32 $0xFFFFE700  }
0x19: {  	[tilespmem:s10], [sflag:$0x5] =	stream.linear.gather [hbm4b:s4+s3], $0x980, $0x38;
	[tilespmem:$0x15280] =	vst v63  }
0x1a: {  	_ =	swait.ge [sflag:s9], $0x980  }
0x1b: {  	[sflag:s9] =	ssyncset.done $0x0  }
0x1c: {  	[sflag:s9] =	ssyncadd.s32 $0xFFFFF680  }
0x1d: {  	[tilespmem:s12], [sflag:$0x1] =	stream.indirect.gather [hbm4b:s5+s11], $0x130, s3, s11, $0xb8;
	[tilespmem:$0x15280] =	vst v63  }
0x1e: {  	s19 =	simm.s32 $0x0  }
0x1f: {  	[tilespmem:s13], [sflag:$0x2] =	stream.indirect.gather [hbm4b:s5+s11], $0x130, s11, s11, $0xb8;
	[tilespmem:$0x15280] =	vst v63  }
.LBB2_2:
.Ltmp2:
0x20: {  	(pc) =	sbr.rel .LBB2_3-.Ltmp2, $4  }
0x21: {  	_ = 	snop  }
0x22: {  	_ =	swait.ge [sflag:s14], $0x9800;
	s20 =	sshll.u32 s19, $0x8  }
0x23: {  	[sflag:s14] =	ssyncset.done $0x0;
	s20 =	sand.u32 $0x3FFFFF00, s20  }
0x24: {  	s21 =	simm.s32 $0x0;
	s22 =	simm.s32 $0x2310;
	[sflag:s14] =	ssyncadd.s32 $0xFFFF6800;
	v2 =	vmov s20  }
.LBB2_6:
0x25: {  	[tilespmem:s24+$0x0] =	vst @!p0 v5  }
0x26: {  	v3 =	vld @!p0 [tilespmem:s23+$0x19A0];
	_ =	sdelay $0x4  }
0x27: {  	[tilespmem:s24+$0x10] =	vst @!p0 v3  }
0x28: {  	v3 =	vld @!p0 [tilespmem:s23+$0x19B0];
	_ =	sdelay $0x4  }
0x29: {  	[tilespmem:s24+$0x20] =	vst @!p0 v3  }
0x2a: {  	v3 =	vld @!p0 [tilespmem:s23+$0x19C0];
	_ =	sdelay $0x4  }
0x2b: {  	[tilespmem:s24+$0x30] =	vst @!p0 v3  }
0x2c: {  	v3 =	vld @!p0 [tilespmem:s23+$0x19D0];
	_ =	sdelay $0x4  }
0x2d: {  	[tilespmem:s24+$0x40] =	vst @!p0 v3  }
0x2e: {  	v3 =	vld @!p0 [tilespmem:s23+$0x19E0];
	_ =	sdelay $0x4  }
0x2f: {  	[tilespmem:s24+$0x50] =	vst @!p0 v3  }
0x30: {  	v3 =	vld @!p0 [tilespmem:s23+$0x19F0];
	_ =	sdelay $0x4  }
0x31: {  	[tilespmem:s24+$0x60] =	vst @!p0 v3  }
0x32: {  	v3 =	vld @!p0 [tilespmem:s23+$0x1A00];
	_ =	sdelay $0x4  }
0x33: {  	[tilespmem:s24+$0x70] =	vst @!p0 v3  }
0x34: {  	v3 =	vld @!p0 [tilespmem:s23+$0x1A10];
	_ =	sdelay $0x4  }
0x35: {  	[tilespmem:s24+$0x80] =	vst @!p0 v3  }
0x36: {  	v3 =	vld @!p0 [tilespmem:s23+$0x1A20];
	_ =	sdelay $0x4  }
0x37: {  	[tilespmem:s24+$0x90] =	vst @!p0 v3  }
.LBB2_7:
0x38: {  	s21 =	sadd.s32 $0x1, s21  }
0x39: {  	p0 =	sne.s32 s21, $0x8  }
.Ltmp3:
0x3a: {  	_ = 	snop;
	(pc) =	sbr.rel @!p0 .LBB2_8-.Ltmp3, $2  }
0x3b: {  	_ =	sdelay $0x2  }
0x3c: {  	s22 =	sadd.s32 $0x1300, s22  }
.LBB2_3:
0x3d: {  	_ =	sdelay $0x2  }
0x3e: {  	s23 =	sshll.u32 s21, $0x4  }
0x3f: {  	v4 =	vld.idx.msk [tilespmem:v2+s23+$0x0 ss:$0x1], $0xffff;
	_ =	sdelay $0x4  }
0x40: {  	vm1 =	veq.s32 v4, $0x0;
	vm0 =	vgt.s32 v4, $0x1869A  }
0x41: {  	vm1 =	vmor vm1, vm0  }
0x42: {  	v3 =	vsel vm1, $0x1, v0  }
0x43: {  	(xrf0) =	vadd.scan.msk.s32 $0xffff, v3;
	_ =	sdelay $0x5  }
0x44: {  	v5, _, _ =	vpop (xrf0)  }
0x45: {  	(v2sf) =	vpush v5, $0xF;
	_ =	sdelay $0xe  }
0x46: {  	s31 =	spop (v2sf)  }
0x47: {  	p0 =	slt.s32 s31, $0x1  }
.Ltmp4:
0x48: {  	_ = 	snop;
	(pc) =	sbr.rel @p0 .LBB2_7-.Ltmp4, $1  }
0x49: {  	_ =	sdelay $0x3  }
0x4a: {  	s23 =	simm.s32 $0x0  }
0x4b: {  	v5 =	vmov s23  }
0x4c: {  	vm1 =	veq.s32 v5, v1  }
0x4d: {  	v6 =	vnsel vm1, $0x0, v3  }
0x4e: {  	(xrf0) =	vadd.scan.msk.s32 $0xffff, v6;
	_ =	sdelay $0x5  }
0x4f: {  	v6, _, _ =	vpop (xrf0)  }
0x50: {  	(v2sf) =	vpush v6, $0xF;
	_ =	sdelay $0xe  }
0x51: {  	s31 =	spop (v2sf)  }
0x52: {  	p0 =	slt.s32 s31, $0x1  }
0x53: {  	v4 =	vnsel vm0, $0x1869A, v4;
	v6 =	vlaneseq.u32 @!p0  }
0x54: {  	v4 =	vadd.s32 $0xFFFE7966, v4;
	vm0 =	veq.s32 @!p0 v5, v6  }
0x55: {  	v5 =	vnsel @!p0 vm0, $0x0, v4  }
0x56: {  	(xrf0) =	vadd.scan.msk.s32 @!p0 $0xffff, v5;
	_ =	sdelay $0x5  }
0x57: {  	v5, _, _ =	vpop @!p0 (xrf0)  }
0x58: {  	(v2sf) =	vpush @!p0 v5, $0xF;
	_ =	sdelay $0xe  }
0x59: {  	s23 =	spop @!p0 (v2sf)  }
0x5a: {  	s23 =	smul.u32 @!p0 $0x4C0, s23;
	_ =	sdelay $0x1  }
0x5b: {  	s23 =	sshra.s32 @!p0 s23, $0x2;
	p0 =	por p0, p0  }
0x5c: {  	v5 =	vld @!p0 [tilespmem:s23+$0x1900];
	_ =	sdelay $0x4  }
0x5d: {  	[tilespmem:s22+$0xFFFFFF70] =	vst @!p0 v5  }
0x5e: {  	v5 =	vld @!p0 [tilespmem:s23+$0x1910];
	_ =	sdelay $0x4  }
0x5f: {  	[tilespmem:s22+$0xFFFFFF80] =	vst @!p0 v5  }
0x60: {  	v5 =	vld @!p0 [tilespmem:s23+$0x1920];
	_ =	sdelay $0x4  }
0x61: {  	[tilespmem:s22+$0xFFFFFF90] =	vst @!p0 v5  }
0x62: {  	v5 =	vld @!p0 [tilespmem:s23+$0x1930];
	_ =	sdelay $0x4  }
0x63: {  	[tilespmem:s22+$0xFFFFFFA0] =	vst @!p0 v5  }
0x64: {  	v5 =	vld @!p0 [tilespmem:s23+$0x1940];
	_ =	sdelay $0x4  }
0x65: {  	[tilespmem:s22+$0xFFFFFFB0] =	vst @!p0 v5  }
0x66: {  	v5 =	vld @!p0 [tilespmem:s23+$0x1950];
	_ =	sdelay $0x4  }
0x67: {  	[tilespmem:s22+$0xFFFFFFC0] =	vst @!p0 v5  }
0x68: {  	v5 =	vld @!p0 [tilespmem:s23+$0x1960];
	_ =	sdelay $0x4  }
0x69: {  	[tilespmem:s22+$0xFFFFFFD0] =	vst @!p0 v5  }
0x6a: {  	v5 =	vld @!p0 [tilespmem:s23+$0x1970];
	_ =	sdelay $0x4  }
0x6b: {  	[tilespmem:s22+$0xFFFFFFE0] =	vst @!p0 v5  }
0x6c: {  	v5 =	vld @!p0 [tilespmem:s23+$0x1980];
	_ =	sdelay $0x4  }
0x6d: {  	[tilespmem:s22+$0xFFFFFFF0] =	vst @!p0 v5  }
0x6e: {  	v5 =	vld @!p0 [tilespmem:s23+$0x1990];
	_ =	sdelay $0x2  }
0x6f: {  	s25 =	simm.s32 $0x1;
	s24 =	smov.u32 s22  }
.LBB2_5:
0x70: {  	v6 =	vmov s25;
	s25 =	sadd.s32 $0x1, s25  }
0x71: {  	vm0 =	veq.s32 v6, v1;
	p1 =	sne.s32 s25, $0x10;
	[tilespmem:s24+$0x0] =	vst @!p0 v5  }
0x72: {  	v5 =	vnsel vm0, $0x0, v3;
	v7 =	vld @!p0 [tilespmem:s23+$0x19A0]  }
0x73: {  	(xrf0) =	vadd.scan.msk.s32 $0xffff, v5;
	_ =	sdelay $0x3  }
0x74: {  	[tilespmem:s24+$0x10] =	vst @!p0 v7  }
0x75: {  	v5 =	vld @!p0 [tilespmem:s23+$0x19B0]  }
0x76: {  	v7, _, _ =	vpop (xrf0)  }
0x77: {  	(v2sf) =	vpush v7, $0xF;
	_ =	sdelay $0x2  }
0x78: {  	[tilespmem:s24+$0x20] =	vst @!p0 v5  }
0x79: {  	v5 =	vld @!p0 [tilespmem:s23+$0x19C0];
	_ =	sdelay $0x4  }
0x7a: {  	[tilespmem:s24+$0x30] =	vst @!p0 v5  }
0x7b: {  	v5 =	vld @!p0 [tilespmem:s23+$0x19D0];
	_ =	sdelay $0x4  }
0x7c: {  	s26 =	spop (v2sf);
	[tilespmem:s24+$0x40] =	vst @!p0 v5  }
0x7d: {  	p2 =	slt.s32 s26, $0x1;
	v5 =	vld @!p0 [tilespmem:s23+$0x19E0]  }
0x7e: {  	v7 =	vlaneseq.u32 @!p2  }
0x7f: {  	vm0 =	veq.s32 @!p2 v6, v7  }
0x80: {  	v6 =	vnsel @!p2 vm0, $0x0, v4  }
0x81: {  	(xrf0) =	vadd.scan.msk.s32 @!p2 $0xffff, v6  }
0x82: {  	[tilespmem:s24+$0x50] =	vst @!p0 v5  }
0x83: {  	v5 =	vld @!p0 [tilespmem:s23+$0x19F0];
	_ =	sdelay $0x3  }
0x84: {  	v6, _, _ =	vpop @!p2 (xrf0)  }
0x85: {  	(v2sf) =	vpush @!p2 v6, $0xF;
	[tilespmem:s24+$0x60] =	vst @!p0 v5  }
0x86: {  	v5 =	vld @!p0 [tilespmem:s23+$0x1A00];
	_ =	sdelay $0x4  }
0x87: {  	[tilespmem:s24+$0x70] =	vst @!p0 v5  }
0x88: {  	v5 =	vld @!p0 [tilespmem:s23+$0x1A10];
	_ =	sdelay $0x4  }
0x89: {  	[tilespmem:s24+$0x80] =	vst @!p0 v5  }
0x8a: {  	v5 =	vld @!p0 [tilespmem:s23+$0x1A20];
	_ =	sdelay $0x1  }
0x8b: {  	s23 =	spop @!p2 (v2sf)  }
0x8c: {  	s23 =	smul.u32 @!p2 $0x4C0, s23;
	_ =	sdelay $0x1  }
0x8d: {  	s23 =	sshra.s32 @!p2 s23, $0x2;
	[tilespmem:s24+$0x90] =	vst @!p0 v5;
	p0 =	por p2, p2  }
0x8e: {  	v5 =	vld @!p0 [tilespmem:s23+$0x1900];
	_ =	sdelay $0x3  }
0x8f: {  	s24 =	sadd.s32 $0x130, s24  }
0x90: {  	[tilespmem:s24+$0xFFFFFF70] =	vst @!p0 v5  }
0x91: {  	v5 =	vld @!p0 [tilespmem:s23+$0x1910];
	_ =	sdelay $0x4  }
0x92: {  	[tilespmem:s24+$0xFFFFFF80] =	vst @!p0 v5  }
0x93: {  	v5 =	vld @!p0 [tilespmem:s23+$0x1920];
	_ =	sdelay $0x4  }
0x94: {  	[tilespmem:s24+$0xFFFFFF90] =	vst @!p0 v5  }
0x95: {  	v5 =	vld @!p0 [tilespmem:s23+$0x1930];
	_ =	sdelay $0x4  }
0x96: {  	[tilespmem:s24+$0xFFFFFFA0] =	vst @!p0 v5  }
0x97: {  	v5 =	vld @!p0 [tilespmem:s23+$0x1940];
	_ =	sdelay $0x4  }
0x98: {  	[tilespmem:s24+$0xFFFFFFB0] =	vst @!p0 v5  }
0x99: {  	v5 =	vld @!p0 [tilespmem:s23+$0x1950];
	_ =	sdelay $0x4  }
0x9a: {  	[tilespmem:s24+$0xFFFFFFC0] =	vst @!p0 v5  }
0x9b: {  	v5 =	vld @!p0 [tilespmem:s23+$0x1960];
	_ =	sdelay $0x4  }
0x9c: {  	[tilespmem:s24+$0xFFFFFFD0] =	vst @!p0 v5  }
0x9d: {  	v5 =	vld @!p0 [tilespmem:s23+$0x1970];
	_ =	sdelay $0x4  }
0x9e: {  	[tilespmem:s24+$0xFFFFFFE0] =	vst @!p0 v5  }
0x9f: {  	v5 =	vld @!p0 [tilespmem:s23+$0x1980];
	_ =	sdelay $0x1  }
.Ltmp5:
0xa0: {  	(pc) =	sbr.rel @p1 .LBB2_5-.Ltmp5, $3  }
0xa1: {  	_ =	sdelay $0x1  }
0xa2: {  	[tilespmem:s24+$0xFFFFFFF0] =	vst @!p0 v5  }
0xa3: {  	v5 =	vld @!p0 [tilespmem:s23+$0x1990]  }
.Ltmp6:
0xa4: {  	_ = 	snop;
	(pc) =	sbr.rel .LBB2_6-.Ltmp6, $1  }
0xa5: {  	_ =	sdelay $0x3  }
.LBB2_8:
0xa6: {  	s21 =	sshll.u32 s19, $0x1  }
0xa7: {  	s22 =	sadd.s32 s6, s21  }
0xa8: {  	s22 =	smul.u32 $0x1300, s22;
	_ =	sdelay $0x1  }
0xa9: {  	p0 =	seq.s32 s19, $0x18;
	s22 =	sadd.s32 s2, s22  }
0xaa: {  	[hbm4b:s22+s3] =	stream.linear.scatter [tilespmem:s12], [sflag:$0x3], $0x9800, $0x38;
	[tilespmem:$0x15280] =	vst v63  }
0xab: {  	s22 =	simm.s32 @!p0 $0x3  }
0xac: {  	s23 =	simm.s32 @!p0 $0x80;
	_ =	swait.ge @!p0 [sflag:s22], $0x9800  }
0xad: {  	s24 =	simm.s32 @!p0 $0x2280;
	s21 =	sor.u32 $0x1, s21;
	[sflag:s22] =	ssyncset.done @!p0 $0x0  }
.Ltmp7:
0xae: {  	[sflag:s22] =	ssyncadd.s32 @!p0 $0xFFFF6800;
	s22 =	sadd.s32 @!p0 $0x100, s20;
	(pc) =	sbr.rel .LBB2_9-.Ltmp7, $4  }
0xaf: {  	[tilespmem:s24], [sflag:$0x1] =	stream.indirect.gather @!p0 [hbm4b:s5+s23], $0x130, s22, s23, $0xb8;
	[tilespmem:$0x15280] =	vst v63  }
0xb0: {  	s30 =	sshll.u32 s21, $0x7;
	_ =	swait.ge [sflag:s15], $0x9800  }
0xb1: {  	s31 =	sand.u32 $0x3FFFFF80, s30;
	[sflag:s15] =	ssyncset.done $0x0  }
0xb2: {  	v2 =	vmov s31;
	s22 =	simm.s32 $0x0;
	s23 =	simm.s32 $0xBB10;
	[sflag:s15] =	ssyncadd.s32 $0xFFFF6800  }
.LBB2_12:
0xb3: {  	[tilespmem:s25+$0x0] =	vst @!p1 v5  }
0xb4: {  	v3 =	vld @!p1 [tilespmem:s24+$0x19A0];
	_ =	sdelay $0x4  }
0xb5: {  	[tilespmem:s25+$0x10] =	vst @!p1 v3  }
0xb6: {  	v3 =	vld @!p1 [tilespmem:s24+$0x19B0];
	_ =	sdelay $0x4  }
0xb7: {  	[tilespmem:s25+$0x20] =	vst @!p1 v3  }
0xb8: {  	v3 =	vld @!p1 [tilespmem:s24+$0x19C0];
	_ =	sdelay $0x4  }
0xb9: {  	[tilespmem:s25+$0x30] =	vst @!p1 v3  }
0xba: {  	v3 =	vld @!p1 [tilespmem:s24+$0x19D0];
	_ =	sdelay $0x4  }
0xbb: {  	[tilespmem:s25+$0x40] =	vst @!p1 v3  }
0xbc: {  	v3 =	vld @!p1 [tilespmem:s24+$0x19E0];
	_ =	sdelay $0x4  }
0xbd: {  	[tilespmem:s25+$0x50] =	vst @!p1 v3  }
0xbe: {  	v3 =	vld @!p1 [tilespmem:s24+$0x19F0];
	_ =	sdelay $0x4  }
0xbf: {  	[tilespmem:s25+$0x60] =	vst @!p1 v3  }
0xc0: {  	v3 =	vld @!p1 [tilespmem:s24+$0x1A00];
	_ =	sdelay $0x4  }
0xc1: {  	[tilespmem:s25+$0x70] =	vst @!p1 v3  }
0xc2: {  	v3 =	vld @!p1 [tilespmem:s24+$0x1A10];
	_ =	sdelay $0x4  }
0xc3: {  	[tilespmem:s25+$0x80] =	vst @!p1 v3  }
0xc4: {  	v3 =	vld @!p1 [tilespmem:s24+$0x1A20];
	_ =	sdelay $0x4  }
0xc5: {  	[tilespmem:s25+$0x90] =	vst @!p1 v3  }
.LBB2_13:
0xc6: {  	s22 =	sadd.s32 $0x1, s22  }
0xc7: {  	p1 =	sne.s32 s22, $0x8  }
.Ltmp8:
0xc8: {  	_ = 	snop;
	(pc) =	sbr.rel @!p1 .LBB2_14-.Ltmp8, $2  }
0xc9: {  	_ =	sdelay $0x2  }
0xca: {  	s23 =	sadd.s32 $0x1300, s23  }
.LBB2_9:
0xcb: {  	_ =	sdelay $0x2  }
0xcc: {  	s24 =	sshll.u32 s22, $0x4  }
0xcd: {  	v4 =	vld.idx.msk [tilespmem:v2+s24+$0x0 ss:$0x1], $0xffff;
	_ =	sdelay $0x4  }
0xce: {  	vm1 =	veq.s32 v4, $0x0;
	vm0 =	vgt.s32 v4, $0x1869A  }
0xcf: {  	vm1 =	vmor vm1, vm0  }
0xd0: {  	v3 =	vsel vm1, $0x1, v0  }
0xd1: {  	(xrf0) =	vadd.scan.msk.s32 $0xffff, v3;
	_ =	sdelay $0x5  }
0xd2: {  	v5, _, _ =	vpop (xrf0)  }
0xd3: {  	(v2sf) =	vpush v5, $0xF;
	_ =	sdelay $0xe  }
0xd4: {  	s31 =	spop (v2sf)  }
0xd5: {  	p1 =	slt.s32 s31, $0x1  }
.Ltmp9:
0xd6: {  	_ = 	snop;
	(pc) =	sbr.rel @p1 .LBB2_13-.Ltmp9, $1  }
0xd7: {  	_ =	sdelay $0x3  }
0xd8: {  	s24 =	simm.s32 $0x0  }
0xd9: {  	v5 =	vmov s24  }
0xda: {  	vm1 =	veq.s32 v5, v1  }
0xdb: {  	v6 =	vnsel vm1, $0x0, v3  }
0xdc: {  	(xrf0) =	vadd.scan.msk.s32 $0xffff, v6;
	_ =	sdelay $0x5  }
0xdd: {  	v6, _, _ =	vpop (xrf0)  }
0xde: {  	(v2sf) =	vpush v6, $0xF;
	_ =	sdelay $0xe  }
0xdf: {  	s31 =	spop (v2sf)  }
0xe0: {  	p1 =	slt.s32 s31, $0x1  }
0xe1: {  	v4 =	vnsel vm0, $0x1869A, v4;
	v6 =	vlaneseq.u32 @!p1  }
0xe2: {  	v4 =	vadd.s32 $0xFFFE7966, v4;
	vm0 =	veq.s32 @!p1 v5, v6  }
0xe3: {  	v5 =	vnsel @!p1 vm0, $0x0, v4  }
0xe4: {  	(xrf0) =	vadd.scan.msk.s32 @!p1 $0xffff, v5;
	_ =	sdelay $0x5  }
0xe5: {  	v5, _, _ =	vpop @!p1 (xrf0)  }
0xe6: {  	(v2sf) =	vpush @!p1 v5, $0xF;
	_ =	sdelay $0xe  }
0xe7: {  	s24 =	spop @!p1 (v2sf)  }
0xe8: {  	s24 =	smul.u32 @!p1 $0x4C0, s24;
	_ =	sdelay $0x1  }
0xe9: {  	s24 =	sshra.s32 @!p1 s24, $0x2;
	p1 =	por p1, p1  }
0xea: {  	v5 =	vld @!p1 [tilespmem:s24+$0x1900];
	_ =	sdelay $0x4  }
0xeb: {  	[tilespmem:s23+$0xFFFFFF70] =	vst @!p1 v5  }
0xec: {  	v5 =	vld @!p1 [tilespmem:s24+$0x1910];
	_ =	sdelay $0x4  }
0xed: {  	[tilespmem:s23+$0xFFFFFF80] =	vst @!p1 v5  }
0xee: {  	v5 =	vld @!p1 [tilespmem:s24+$0x1920];
	_ =	sdelay $0x4  }
0xef: {  	[tilespmem:s23+$0xFFFFFF90] =	vst @!p1 v5  }
0xf0: {  	v5 =	vld @!p1 [tilespmem:s24+$0x1930];
	_ =	sdelay $0x4  }
0xf1: {  	[tilespmem:s23+$0xFFFFFFA0] =	vst @!p1 v5  }
0xf2: {  	v5 =	vld @!p1 [tilespmem:s24+$0x1940];
	_ =	sdelay $0x4  }
0xf3: {  	[tilespmem:s23+$0xFFFFFFB0] =	vst @!p1 v5  }
0xf4: {  	v5 =	vld @!p1 [tilespmem:s24+$0x1950];
	_ =	sdelay $0x4  }
0xf5: {  	[tilespmem:s23+$0xFFFFFFC0] =	vst @!p1 v5  }
0xf6: {  	v5 =	vld @!p1 [tilespmem:s24+$0x1960];
	_ =	sdelay $0x4  }
0xf7: {  	[tilespmem:s23+$0xFFFFFFD0] =	vst @!p1 v5  }
0xf8: {  	v5 =	vld @!p1 [tilespmem:s24+$0x1970];
	_ =	sdelay $0x4  }
0xf9: {  	[tilespmem:s23+$0xFFFFFFE0] =	vst @!p1 v5  }
0xfa: {  	v5 =	vld @!p1 [tilespmem:s24+$0x1980];
	_ =	sdelay $0x4  }
0xfb: {  	[tilespmem:s23+$0xFFFFFFF0] =	vst @!p1 v5  }
0xfc: {  	v5 =	vld @!p1 [tilespmem:s24+$0x1990];
	_ =	sdelay $0x2  }
0xfd: {  	s26 =	simm.s32 $0x1;
	s25 =	smov.u32 s23  }
.LBB2_11:
0xfe: {  	v6 =	vmov s26;
	s26 =	sadd.s32 $0x1, s26  }
0xff: {  	vm0 =	veq.s32 v6, v1;
	p2 =	sne.s32 s26, $0x10;
	[tilespmem:s25+$0x0] =	vst @!p1 v5  }
0x100: {  	v5 =	vnsel vm0, $0x0, v3;
	v7 =	vld @!p1 [tilespmem:s24+$0x19A0]  }
0x101: {  	(xrf0) =	vadd.scan.msk.s32 $0xffff, v5;
	_ =	sdelay $0x3  }
0x102: {  	[tilespmem:s25+$0x10] =	vst @!p1 v7  }
0x103: {  	v5 =	vld @!p1 [tilespmem:s24+$0x19B0]  }
0x104: {  	v7, _, _ =	vpop (xrf0)  }
0x105: {  	(v2sf) =	vpush v7, $0xF;
	_ =	sdelay $0x2  }
0x106: {  	[tilespmem:s25+$0x20] =	vst @!p1 v5  }
0x107: {  	v5 =	vld @!p1 [tilespmem:s24+$0x19C0];
	_ =	sdelay $0x4  }
0x108: {  	[tilespmem:s25+$0x30] =	vst @!p1 v5  }
0x109: {  	v5 =	vld @!p1 [tilespmem:s24+$0x19D0];
	_ =	sdelay $0x4  }
0x10a: {  	s28 =	spop (v2sf);
	[tilespmem:s25+$0x40] =	vst @!p1 v5  }
0x10b: {  	p3 =	slt.s32 s28, $0x1;
	v5 =	vld @!p1 [tilespmem:s24+$0x19E0]  }
0x10c: {  	v7 =	vlaneseq.u32 @!p3  }
0x10d: {  	vm0 =	veq.s32 @!p3 v6, v7  }
0x10e: {  	v6 =	vnsel @!p3 vm0, $0x0, v4  }
0x10f: {  	(xrf0) =	vadd.scan.msk.s32 @!p3 $0xffff, v6  }
0x110: {  	[tilespmem:s25+$0x50] =	vst @!p1 v5  }
0x111: {  	v5 =	vld @!p1 [tilespmem:s24+$0x19F0];
	_ =	sdelay $0x3  }
0x112: {  	v6, _, _ =	vpop @!p3 (xrf0)  }
0x113: {  	(v2sf) =	vpush @!p3 v6, $0xF;
	[tilespmem:s25+$0x60] =	vst @!p1 v5  }
0x114: {  	v5 =	vld @!p1 [tilespmem:s24+$0x1A00];
	_ =	sdelay $0x4  }
0x115: {  	[tilespmem:s25+$0x70] =	vst @!p1 v5  }
0x116: {  	v5 =	vld @!p1 [tilespmem:s24+$0x1A10];
	_ =	sdelay $0x4  }
0x117: {  	[tilespmem:s25+$0x80] =	vst @!p1 v5  }
0x118: {  	v5 =	vld @!p1 [tilespmem:s24+$0x1A20];
	_ =	sdelay $0x1  }
0x119: {  	s24 =	spop @!p3 (v2sf)  }
0x11a: {  	s24 =	smul.u32 @!p3 $0x4C0, s24;
	_ =	sdelay $0x1  }
0x11b: {  	s24 =	sshra.s32 @!p3 s24, $0x2;
	[tilespmem:s25+$0x90] =	vst @!p1 v5;
	p1 =	por p3, p3  }
0x11c: {  	v5 =	vld @!p1 [tilespmem:s24+$0x1900];
	_ =	sdelay $0x3  }
0x11d: {  	s25 =	sadd.s32 $0x130, s25  }
0x11e: {  	[tilespmem:s25+$0xFFFFFF70] =	vst @!p1 v5  }
0x11f: {  	v5 =	vld @!p1 [tilespmem:s24+$0x1910];
	_ =	sdelay $0x4  }
0x120: {  	[tilespmem:s25+$0xFFFFFF80] =	vst @!p1 v5  }
0x121: {  	v5 =	vld @!p1 [tilespmem:s24+$0x1920];
	_ =	sdelay $0x4  }
0x122: {  	[tilespmem:s25+$0xFFFFFF90] =	vst @!p1 v5  }
0x123: {  	v5 =	vld @!p1 [tilespmem:s24+$0x1930];
	_ =	sdelay $0x4  }
0x124: {  	[tilespmem:s25+$0xFFFFFFA0] =	vst @!p1 v5  }
0x125: {  	v5 =	vld @!p1 [tilespmem:s24+$0x1940];
	_ =	sdelay $0x4  }
0x126: {  	[tilespmem:s25+$0xFFFFFFB0] =	vst @!p1 v5  }
0x127: {  	v5 =	vld @!p1 [tilespmem:s24+$0x1950];
	_ =	sdelay $0x4  }
0x128: {  	[tilespmem:s25+$0xFFFFFFC0] =	vst @!p1 v5  }
0x129: {  	v5 =	vld @!p1 [tilespmem:s24+$0x1960];
	_ =	sdelay $0x4  }
0x12a: {  	[tilespmem:s25+$0xFFFFFFD0] =	vst @!p1 v5  }
0x12b: {  	v5 =	vld @!p1 [tilespmem:s24+$0x1970];
	_ =	sdelay $0x4  }
0x12c: {  	[tilespmem:s25+$0xFFFFFFE0] =	vst @!p1 v5  }
0x12d: {  	v5 =	vld @!p1 [tilespmem:s24+$0x1980];
	_ =	sdelay $0x1  }
.Ltmp10:
0x12e: {  	(pc) =	sbr.rel @p2 .LBB2_11-.Ltmp10, $3  }
0x12f: {  	_ =	sdelay $0x1  }
0x130: {  	[tilespmem:s25+$0xFFFFFFF0] =	vst @!p1 v5  }
0x131: {  	v5 =	vld @!p1 [tilespmem:s24+$0x1990]  }
.Ltmp11:
0x132: {  	_ = 	snop;
	(pc) =	sbr.rel .LBB2_12-.Ltmp11, $1  }
0x133: {  	_ =	sdelay $0x3  }
.LBB2_14:
.Ltmp12:
0x134: {  	s21 =	sadd.s32 s6, s21;
	(pc) =	sbr.rel @p0 .LBB2_16-.Ltmp12, $3  }
0x135: {  	s21 =	smul.u32 $0x1300, s21;
	_ =	sdelay $0x1  }
0x136: {  	s21 =	sadd.s32 s2, s21  }
0x137: {  	[hbm4b:s21+s3] =	stream.linear.scatter [tilespmem:s13], [sflag:$0x4], $0x9800, $0x38;
	[tilespmem:$0x15280] =	vst v63  }
.Ltmp13:
0x138: {  	(pc) =	sbr.rel .LBB2_2-.Ltmp13, $4  }
0x139: {  	_ =	swait.ge [sflag:s17], $0x9800  }
0x13a: {  	[sflag:s17] =	ssyncset.done $0x0  }
0x13b: {  	s20 =	sadd.s32 $0x180, s20;
	s19 =	sadd.s32 $0x1, s19;
	[sflag:s17] =	ssyncadd.s32 $0xFFFF6800  }
0x13c: {  	[tilespmem:s13], [sflag:$0x2] =	stream.indirect.gather [hbm4b:s5+s11], $0x130, s20, s11, $0xb8;
	[tilespmem:$0x15280] =	vst v63  }
.LBB2_17:
0x13d: {  	_ =	sfence.sel $0x180000  }
0x13e: {  	[bflag:$0x0] =	sbarrier.arrive $0xFFFF  }
0x13f: {  	p0 =	sne.s32 s1, $0x0;
	_ =	strace $0x90000047  }
0x140: {  	s0 =	sadd.s32 @!p0 $0x100000, s0;
	[bflag:$0x2] =	sbarrier.arrive $0xFFFF  }
0x141: {  	[sflag:s0] =	ssyncadd.tile.s32 @!p0 $0x1;
	_ =	shalt  }
.Lfunc_end2:
_tile_overlayer_lowered:
.L_overlay_start_2:
0x142: {  	(tag) =	ssettag $0x2  }
0x143: {  	s0 =	rddreg [dreg:$0x0];
	s2 =	stileid.u32  }
0x144: {  	s1 =	rddreg [dreg:$0x1];
	p0 =	sne.s32 s2, $0x0  }
0x145: {  	s3 =	rddreg [dreg:$0x2];
	[bflag:$0x3] =	sbarrier.arrive $0xFFFF;
	s2 =	simm.s32 @!p0 $0x1C05  }
0x146: {  	[timem:s3], [sflag:s2] =	dma.local @!p0 [hbm:s0], s1  }
0x147: {  	s0 =	simm.s32 @!p0 $0x5  }
0x148: {  	_ =	swait.ge @!p0 [sflag:s0], s1  }
0x149: {  	s1 =	ssub.s32 @!p0 $0x0, s1;
	[sflag:s0] =	ssyncset.done @!p0 $0x0  }
0x14a: {  	[sflag:s0] =	ssyncadd.s32 @!p0 s1  }
0x14b: {  	[bflag:$0x3] =	sbarrier.arrive $0xFFFF  }
0x14c: {  	_ =	shalt  }

// kernel: sparse-core-data-format-call.cloned.1.call-start
scs
called_computation_lowered:
.L_overlay_start_0:
0x0: {  	s2 =	sld [smem:$0x3FD9]  }
0x1: {  	s3 =	sld [smem:$0x3FFE];
	_ =	sdelay $0x1  }
0x2: {  	s1 =	srdreg.scid  }
0x3: {  	s0 =	sand.u32 $0x1, s1  }
0x4: {  	s18 =	sshll.u32 s0, $0xA;
	s2 =	sadd.s32 s3, s2  }
0x5: {  	s2 =	sadd.s32 s2, s18  }
0x6: {  	[smem:$0x3FC5] =	sst s2  }
0x7: {  	_ = 	snop  }
0x8: {  	s2 =	sld [smem:$0x3FD0];
	(tm) =	ssettm $0x1  }
0x9: {  	s19 =	sld [smem:$0x3FFB];
	_ =	sdelay $0x3  }
0xa: {  	_ =	strace s19  }
0xb: {  	s3 =	sld [smem:$0x3FFC];
	_ =	sdelay $0x3  }
0xc: {  	_ =	strace s3  }
0xd: {  	s3 =	sld [smem:$0x3FFD];
	_ =	sdelay $0x3  }
0xe: {  	_ =	strace s3  }
0xf: {  	_ =	strace $0x8FFFFFFF  }
0x10: {  	s20 =	sld [smem:$0x3FDB];
	_ =	sdelay $0x1  }
0x11: {  	s4 =	simm.s32 $_scs_section_size  }
0x12: {  	s5 =	simm.s32 $_size__tile_overlayer_lowered;
	s6 =	simm.s32 $_tile_overlayer_lowered  }
0x13: {  	s23 =	simm.s32 $0x1BFF;
	s22 =	sshll.u32 s6, $0x1;
	s3 =	sadd.s32 s4, s20  }
0x14: {  	s7 =	simm.s32 $0x0;
	s21 =	sshll.u32 s5, $0x1;
	s5 =	sadd.s32 s22, s3  }
0x15: {  	[timem:s7], [sflag:s23] =	dma.local [hbm:s5], s21  }
0x16: {  	_ =	swait.ge [sflag:s23], s21  }
0x17: {  	s4 =	ssub.s32 $0x0, s21;
	[sflag:s23] =	ssyncset.done $0x0  }
0x18: {  	[sflag:s23] =	ssyncadd.s32 s4;
	_ =	sdelay $0x1  }
0x19: {  	s24 =	simm.s32 $0x1B8B  }
0x1a: {  	_ =	swait.ge [sflag:s24], $0x1  }
0x1b: {  	[sflag:s24] =	ssyncset.done $0x0  }
0x1c: {  	s26 =	simm.s32 $0x1B8E;
	s25 =	sld [smem:$0x3FFE];
	[sflag:s24] =	ssyncadd.s32 $0xFFFFFFFF  }
0x1d: {  	s27 =	simm.s32 $execute0_lowered;
	[smem:$0x3FD2] =	sst s26  }
0x1e: {  	s5 =	sshll.u32 s27, $0x1;
	_ =	strace $0x80000049;
	[dreg:$0x1] =	wrdreg $0xFFFFFFFF  }
0x1f: {  	s28 =	simm.s32 $_size_execute0_lowered;
	s3 =	sadd.s32 s3, s5;
	[dreg:$0x0] =	wrdreg $0x0  }
0x20: {  	s5 =	sshll.u32 s28, $0x1;
	[dreg:$0x2] =	wrdreg s3  }
0x21: {  	[dreg:$0x3] =	wrdreg s5  }
0x22: {  	[dreg:$0x4] =	wrdreg $0xC0  }
0x23: {  	_ =	task [dreg:s7], $0x5FFFF  }
0x24: {  	[dreg:$0x1] =	wrdreg $0xFFFFFFFF  }
0x25: {  	[dreg:$0x0] =	wrdreg $0x60  }
0x26: {  	[dreg:$0x2] =	wrdreg s25  }
0x27: {  	[dreg:$0x3] =	wrdreg s2  }
0x28: {  	[dreg:$0x4] =	wrdreg $0x9  }
0x29: {  	_ =	task.clear_ibuf [dreg:s7], $0x5FFFF;
	_ =	strace $0x90000049  }
0x2a: {  	s29 =	simm.s32 $0x9;
	_ =	strace $0x8000004B  }
0x2b: {  	_ =	swait.ge [sflag:s29], $0x1  }
0x2c: {  	[sflag:s29] =	ssyncadd.s32 $0xFFFFFFFF  }
0x2d: {  	_ =	strace $0x9000004B  }
0x2e: {  	_ =	sfence  }
0x2f: {  	s30 =	sld [smem:$0x0];
	_ =	sdelay $0x2  }
0x30: {  	s31 =	sshll.u32 s1, $0xD;
	s1 =	sshrl.u32 s1, $0x2  }
0x31: {  	s3 =	sand.u32 $0x4000, s31;
	s1 =	sadd.s32 s1, s30  }
0x32: {  	s0 =	sor.u32 s3, s0;
	s1 =	sshll.u32 s1, $0x11  }
0x33: {  	s0 =	sor.u32 s1, s0  }
0x34: {  	s0 =	sadd.s32 $0x8F2B, s0  }
0x35: {  	[sflag:s0] =	ssyncadd.remote.s32 $0x1  }
0x36: {  	_ =	sfence.sel $0xFFFF  }
0x37: {  	[dreg:$0x0] =	wrdreg $0xFFFFFFFF;
	(pc) =	sbr.abs _section_cstart, $3  }
0x38: {  	[dreg:$0x1] =	wrdreg $0xFFFFFFFF  }
0x39: {  	_ =	task.clear_ibuf [dreg:s7], $0x2FFFF;
	_ =	strace $0x9FFFFFFF  }
0x3a: {  	(tm) =	ssettm $0x7FFFFFFF  }
0x3b: {  	_ =	shalt  }
tec
execute0_lowered:
.L_overlay_start_1:
0x0: {  	(tag) =	ssettag $0x1  }
0x1: {  	s0 =	srdreg.scid  }
0x2: {  	s1 =	sshll.u32 s0, $0x4  }
0x3: {  	s6 =	rddreg [dreg:$0x0];
	s0 =	stileid.u32;
	s1 =	sand.u32 $0x10, s1  }
0x4: {  	s3 =	rddreg [dreg:$0x1];
	s1 =	sor.u32 s0, s1  }
0x5: {  	s5 =	simm.s32 $0x1;
	s31 =	simm.s32 $0x2;
	s2 =	sshll.u32 s1, $0x7  }
0x6: {  	s15 =	simm.s32 $0x0;
	s8 =	simm.s32 $0x190000;
	s4 =	ssub.s32 $0x32000, s2  }
0x7: {  	s14 =	simm.s32 $0x0;
	s9 =	simm.s32 $0x0;
	s30 =	sand.u32 $0xF80, s4  }
0x8: {  	s10 =	simm.s32 $0x0;
	s11 =	simm.s32 $0x0;
	p0 =	sne.s32 s30, $0x0  }
.Ltmp0:
0x9: {  	s7 =	sshrl.u32 s4, $0xC;
	s5 =	simm.s32 @!p0 $0x0;
	(pc) =	sbr.rel .LBB1_1-.Ltmp0, $4  }
0xa: {  	s13 =	simm.s32 $0x0;
	s1 =	rddreg [dreg:$0x2];
	s5 =	sadd.s32 s5, s7  }
0xb: {  	_ =	strace $0x8000004A;
	s4 =	simm.s32 $0x1;
	s5 =	smul.u32 $0x3, s5  }
0xc: {  	s6 =	sadd.s32 $0x800, s6;
	s12 =	smov.u32 s2;
	[sflag:s4] =	ssyncpa.u1 $0x0  }
0xd: {  	[sflag:s31] =	ssyncpa.u1 $0x0;
	p0 =	por $0x0, $0x0;
	s7 =	sadd.s32 $0x1, s5  }
.LBB1_4:
0xe: {  	s21 =	sshrl.u32 s9, $0x3;
	s22 =	sshll.u32 s10, $0x3  }
0xf: {  	s20 =	sshra.s32 s20, $0x2;
	s23 =	sshll.u32 s9, $0x7;
	s24 =	sand.u32 $0x7F, s10  }
0x10: {  	p1 =	sgt.s32 s9, $0xB0;
	s28 =	sshra.s32 s9, $0x1F;
	s21 =	smul.u32 $0x190000, s21  }
0x11: {  	s29 =	sshra.s32 s10, $0x1F;
	s22 =	sand.u32 $0xFFFFFC00, s22;
	s25 =	sand.u32 $0x380, s23  }
0x12: {  	s19 =	sadd.s32 s20, s19;
	s26 =	sor.u32 s24, s25;
	s21 =	sadd.s32 s22, s21  }
0x13: {  	s27 =	smulhi.u32 $0x51EB851F, s21;
	s20 =	sor.u32 s21, s26;
	s21 =	smov.u32 s9  }
0x14: {  	v5 =	vld [tilespmem:s17+$0xFFFFFFD0];
	[tilespmem:s18+$0x2040 ss:$0x81] =	vst.msk $0xffff, v4;
	s23 =	sand.u32 s28, s9;
	s24 =	sand.u32 s29, s10;
	s21 =	simm.s32 @!p1 $0xB0  }
0x15: {  	v58 =	vld [tilespmem:s17+$0xFFFFFFE0];
	[tilespmem:s18+$0x2850 ss:$0x81] =	vst.msk $0xffff, v3;
	p1 =	sgt.s32 s10, $0x31F80;
	s30 =	smulhi.u32 $0x51EB851F, s20;
	s22 =	sshrl.u32 s27, $0x10  }
0x16: {  	v59 =	vld [tilespmem:s17+$0xFFFFFFF0];
	[tilespmem:s18+$0x3060 ss:$0x81] =	vst.msk $0xffff, v2;
	s21 =	ssub.s32 s21, s23;
	s23 =	smov.u32 s10;
	s25 =	smul.u32 $0xD795, s22  }
0x17: {  	v60 =	vld [tilespmem:s17+$0x0];
	[tilespmem:s18+$0x0 ss:$0x81] =	vst.msk $0xffff, v0;
	s23 =	simm.s32 @!p1 $0x31F80;
	s31 =	sadd.s32 $0xFFFFFF50, s21;
	s18 =	sshrl.u32 s30, $0x10  }
0x18: {  	v61 =	vld [tilespmem:s17+$0x10];
	[tilespmem:s19+$0x3870 ss:$0x81] =	vst.msk $0xffff, v1;
	s23 =	ssub.s32 s23, s24;
	s28 =	smul.u32 $0x32000, s18;
	s25 =	sshrl.u32 s25, $0x18  }
0x19: {  	v62 =	vld [tilespmem:s17+$0x20];
	[tilespmem:s19+$0x810 ss:$0x81] =	vst.msk $0xffff, v5;
	p1 =	sgt.s32 s31, $0x7F;
	s26 =	sadd.s32 $0xFFFCE080, s23;
	s27 =	smul.u32 $0x130, s25  }
0x1a: {  	v63 =	vld [tilespmem:s17+$0xFFFFFFC0];
	[tilespmem:s19+$0x1020 ss:$0x81] =	vst.msk $0xffff, v58;
	s18 =	ssub.s32 $0x130, s21;
	s21 =	ssub.s32 $0x32000, s23;
	p2 =	sgt.s32 s26, $0x7F  }
0x1b: {  	[tilespmem:s19+$0x1830 ss:$0x81] =	vst.msk $0xffff, v59;
	s18 =	simm.s32 @p1 $0x0;
	s21 =	simm.s32 @p2 $0x0;
	s22 =	ssub.s32 s22, s27  }
0x1c: {  	[tilespmem:s19+$0x2040 ss:$0x81] =	vst.msk $0xffff, v60;
	s17 =	ssub.s32 s20, s28;
	s18 =	smul.u32 s21, s18;
	s29 =	sand.u32 $0xFFFF, s22  }
0x1d: {  	[tilespmem:s19+$0x2850 ss:$0x81] =	vst.msk $0xffff, v61;
	s30 =	sshrl.u32 s17, $0x3;
	s17 =	sand.u32 $0x7, s17;
	s20 =	smul.u32 $0x6400, s29  }
0x1e: {  	[tilespmem:s19+$0x3060 ss:$0x81] =	vst.msk $0xffff, v62;
	s21 =	sadd.s32 s3, s30;
	s17 =	sshll.u32 s17, $0x12  }
0x1f: {  	[tilespmem:s19+$0x0 ss:$0x81] =	vst.msk $0xffff, v63;
	s17 =	sor.u32 $0x400, s17;
	s18 =	sand.u32 $0x3FFFFFFF, s18;
	s31 =	sadd.s32 s20, s21  }
0x20: {  	[hbm4b:s31+s17] =	stream.strided.scatter [tilespmem:s16], [sflag:$0x2], s18, s8, s17, $0x20;
	[tilespmem:$0x10100] =	vst v63  }
.LBB1_5:
0x21: {  	p1 =	slt.u32 s13, $0x2  }
0x22: {  	s17 =	smov.u32 s15;
	p2 =	sgt.s32 @!p1 s15, $0xB0;
	s16 =	sshra.s32 @!p1 s15, $0x1F  }
0x23: {  	p3 =	sgt.s32 @!p1 s14, $0x31F80;
	s18 =	sshra.s32 @!p1 s14, $0x1F;
	p2 =	por !p2, p1  }
0x24: {  	s15 =	sand.u32 @!p1 s16, s15;
	p3 =	por !p3, p1;
	s16 =	smov.u32 s14  }
0x25: {  	s14 =	sand.u32 @!p1 s18, s14;
	s17 =	simm.s32 @p2 $0xB0;
	s16 =	simm.s32 @p3 $0x31F80  }
0x26: {  	s15 =	ssub.s32 @!p1 s17, s15;
	s14 =	ssub.s32 @!p1 s16, s14  }
0x27: {  	s18 =	smov.u32 s12;
	s16 =	sadd.s32 @!p1 $0xFFFFFF50, s15;
	s17 =	sadd.s32 @!p1 $0xFFFCE080, s14  }
0x28: {  	s15 =	ssub.s32 @!p1 $0x130, s15;
	p2 =	sgt.s32 @!p1 s16, $0x7F;
	p3 =	sgt.s32 @!p1 s17, $0x7F  }
0x29: {  	s14 =	ssub.s32 @!p1 $0x32000, s14;
	p2 =	por !p2, p1;
	p3 =	por !p3, p1  }
0x2a: {  	s16 =	sadd.s32 $0x80, s11;
	s15 =	simm.s32 @!p2 $0x0;
	s14 =	simm.s32 @!p3 $0x0  }
0x2b: {  	p2 =	sgt.s32 s16, $0x12F;
	s14 =	smul.u32 @!p1 s14, s15;
	s15 =	sadd.s32 $0x1000, s12  }
0x2c: {  	s18 =	smov.u32 @p2 s15  }
0x2d: {  	s16 =	simm.s32 @p2 $0x0;
	p2 =	sgt.s32 s18, $0x31FFF  }
0x2e: {  	s18 =	smov.u32 @p2 s2;
	p2 =	sne.s32 s13, s7  }
.Ltmp1:
0x2f: {  	p0 =	por !p0, !p0;
	s17 =	simm.s32 @!p1 $0x2;
	(pc) =	sbr.rel @!p2 .LBB1_6-.Ltmp1, $4  }
0x30: {  	s15 =	smov.u32 s9;
	s9 =	smov.u32 s11;
	s14 =	sand.u32 @!p1 $0x3FFFFFFF, s14  }
0x31: {  	s11 =	smov.u32 s16;
	_ =	swait.ge @!p1 [sflag:s17], s14;
	s19 =	ssub.s32 @!p1 $0x0, s14  }
0x32: {  	s14 =	smov.u32 s10;
	s13 =	sadd.s32 $0x1, s13;
	[sflag:s17] =	ssyncset.done @!p1 $0x0  }
0x33: {  	s10 =	smov.u32 s12;
	s12 =	smov.u32 s18;
	[sflag:s17] =	ssyncadd.s32 @!p1 s19  }
.LBB1_1:
0x34: {  	p1 =	sge.u32 s13, s5  }
0x35: {  	s16 =	sshrl.u32 @!p1 s12, $0x3  }
0x36: {  	s17 =	sshll.u32 @!p1 s11, $0x3;
	s16 =	smul.u32 @!p1 $0xC00, s16  }
0x37: {  	s18 =	sshll.u32 @!p1 s12, $0x7;
	s17 =	sand.u32 @!p1 $0xFFFFFC00, s17  }
0x38: {  	s16 =	sadd.s32 @!p1 s16, s17;
	s17 =	sand.u32 @!p1 $0x380, s18  }
0x39: {  	s16 =	sor.u32 @!p1 s17, s16  }
0x3a: {  	s17 =	sand.u32 @!p1 $0x7F, s11;
	s18 =	smulhi.u32 @!p1 $0xAAAAAAAB, s16  }
0x3b: {  	s16 =	sor.u32 @!p1 s17, s16  }
0x3c: {  	s17 =	smulhi.u32 @!p1 $0xAAAAAAAB, s16;
	s18 =	sshrl.u32 @!p1 s18, $0x8  }
0x3d: {  	s19 =	smulhi.u32 @!p1 $0x147AE15, s18  }
0x3e: {  	s17 =	sshrl.u32 @!p1 s17, $0x8  }
0x3f: {  	s17 =	smul.u32 @!p1 $0x180, s17;
	s19 =	sshrl.u32 @!p1 s19, $0xA  }
0x40: {  	s19 =	smul.u32 @!p1 $0x32000, s19  }
0x41: {  	s31 =	sadd.s32 $0xFFFFFFFF, s13;
	s20 =	sxor.u32 @!p1 $0xFFFFFFFF, s13  }
0x42: {  	s16 =	ssub.s32 @!p1 s16, s17;
	s17 =	sshll.u32 @!p1 s20, $0xE;
	s18 =	ssub.s32 @!p1 s18, s19  }
0x43: {  	s19 =	sshrl.u32 @!p1 s16, $0x3;
	s16 =	sand.u32 @!p1 $0x7, s16;
	s18 =	smul.u32 @!p1 $0x30, s18  }
0x44: {  	s17 =	sand.u32 @!p1 $0x4000, s17;
	s19 =	sadd.s32 @!p1 s6, s19;
	s16 =	sshll.u32 @!p1 s16, $0x12  }
0x45: {  	s16 =	sor.u32 @!p1 $0x400, s16;
	s18 =	sadd.s32 @!p1 s18, s19;
	s19 =	simm.s32 @!p1 $0xC00  }
0x46: {  	[tilespmem:s17], [sflag:$0x1] =	stream.strided.gather @!p1 [hbm4b:s18+s16], $0x4000, s19, s16, $0x38;
	[tilespmem:$0x10100] =	vst v63  }
0x47: {  	p1 =	sge.u32 s31, s5  }
.Ltmp2:
0x48: {  	_ = 	snop;
	(pc) =	sbr.rel @p1 .LBB1_5-.Ltmp2, $1  }
0x49: {  	_ =	sdelay $0x3  }
0x4a: {  	s16 =	simm.s32 $0x1  }
0x4b: {  	_ =	swait.ge [sflag:s4], $0x4000;
	s16 =	simm.s32 @!p0 $0x0  }
0x4c: {  	[sflag:s4] =	ssyncset.done $0x0;
	s17 =	sshll.u32 s16, $0xE  }
0x4d: {  	[sflag:s4] =	ssyncadd.s32 $0xFFFFC000;
	s17 =	sor.u32 $0x40, s17  }
0x4e: {  	s16 =	smul.u32 $0x10200, s16;
	v0 =	vld [tilespmem:s17+$0x30]  }
0x4f: {  	v1 =	vld [tilespmem:s17+$0xFFFFFFD0]  }
0x50: {  	s16 =	sshrl.u32 s16, $0x2;
	v5 =	vld [tilespmem:s17+$0xFFFFFFE0]  }
0x51: {  	v6 =	vld [tilespmem:s17+$0xFFFFFFF0];
	s19 =	sor.u32 $0x8000, s16  }
0x52: {  	s31 =	sand.u32 $0x1, s13;
	v4 =	vld [tilespmem:s17+$0x0];
	s18 =	sadd.s32 $0x0, s19  }
0x53: {  	v3 =	vld [tilespmem:s17+$0x10];
	s16 =	smul.u32 $0x10200, s31;
	[tilespmem:s18+$0x3870 ss:$0x81] =	vst.msk $0xffff, v0  }
0x54: {  	v2 =	vld [tilespmem:s17+$0x20];
	[tilespmem:s18+$0x810 ss:$0x81] =	vst.msk $0xffff, v1  }
0x55: {  	s16 =	sshrl.u32 s16, $0x2;
	v0 =	vld [tilespmem:s17+$0xFFFFFFC0];
	[tilespmem:s18+$0x1020 ss:$0x81] =	vst.msk $0xffff, v5;
	s17 =	sadd.s32 $0x80, s17  }
0x56: {  	s20 =	simm.s32 $0x4;
	s21 =	simm.s32 $0x8;
	s16 =	sor.u32 $0x8000, s16;
	[tilespmem:s18+$0x1830 ss:$0x81] =	vst.msk $0xffff, v6;
	v1 =	vld [tilespmem:s17+$0x30]  }
.LBB1_3:
0x57: {  	p1 =	sne.s32 s21, $0x1FC;
	v5 =	vld [tilespmem:s17+$0xFFFFFFD0];
	[tilespmem:s18+$0x2040 ss:$0x81] =	vst.msk $0xffff, v4  }
0x58: {  	v6 =	vld [tilespmem:s17+$0xFFFFFFE0];
	[tilespmem:s18+$0x2850 ss:$0x81] =	vst.msk $0xffff, v3  }
0x59: {  	s22 =	sshra.s32 s20, $0x2;
	s20 =	smov.u32 s21;
	v7 =	vld [tilespmem:s17+$0xFFFFFFF0];
	[tilespmem:s18+$0x3060 ss:$0x81] =	vst.msk $0xffff, v2  }
.Ltmp3:
0x5a: {  	v4 =	vld [tilespmem:s17+$0x0];
	[tilespmem:s18+$0x0 ss:$0x81] =	vst.msk $0xffff, v0;
	s18 =	sadd.s32 s22, s19;
	(pc) =	sbr.rel @p1 .LBB1_3-.Ltmp3, $4  }
0x5b: {  	v3 =	vld [tilespmem:s17+$0x10];
	[tilespmem:s18+$0x3870 ss:$0x81] =	vst.msk $0xffff, v1  }
0x5c: {  	[tilespmem:s18+$0x810 ss:$0x81] =	vst.msk $0xffff, v5;
	v2 =	vld [tilespmem:s17+$0x20]  }
0x5d: {  	v0 =	vld [tilespmem:s17+$0xFFFFFFC0];
	[tilespmem:s18+$0x1020 ss:$0x81] =	vst.msk $0xffff, v6;
	s17 =	sadd.s32 $0x80, s17  }
0x5e: {  	s21 =	sadd.s32 $0x4, s21;
	v1 =	vld [tilespmem:s17+$0x30];
	[tilespmem:s18+$0x1830 ss:$0x81] =	vst.msk $0xffff, v7  }
.Ltmp4:
0x5f: {  	_ = 	snop;
	(pc) =	sbr.rel .LBB1_4-.Ltmp4, $1  }
0x60: {  	_ =	sdelay $0x3  }
.LBB1_6:
0x61: {  	_ =	sfence.sel $0x180000  }
0x62: {  	s2 =	simm.s32 $0x1;
	[bflag:$0x0] =	sbarrier.arrive $0xFFFF  }
0x63: {  	s31 =	simm.s32 $0x2;
	[sflag:s2] =	ssyncpa.u1 $0x1  }
0x64: {  	[sflag:s31] =	ssyncpa.u1 $0x1  }
0x65: {  	p0 =	sne.s32 s0, $0x0;
	_ =	strace $0x9000004A  }
0x66: {  	s0 =	sadd.s32 @!p0 $0x100000, s1;
	[bflag:$0x2] =	sbarrier.arrive $0xFFFF  }
0x67: {  	[sflag:s0] =	ssyncadd.tile.s32 @!p0 $0x1;
	_ =	shalt  }
.Lfunc_end1:
_tile_overlayer_lowered:
.L_overlay_start_2:
0x68: {  	(tag) =	ssettag $0x2  }
0x69: {  	s0 =	rddreg [dreg:$0x0];
	s2 =	stileid.u32  }
0x6a: {  	s1 =	rddreg [dreg:$0x1];
	p0 =	sne.s32 s2, $0x0  }
0x6b: {  	s3 =	rddreg [dreg:$0x2];
	[bflag:$0x3] =	sbarrier.arrive $0xFFFF;
	s2 =	simm.s32 @!p0 $0x1C01  }
0x6c: {  	[timem:s3], [sflag:s2] =	dma.local @!p0 [hbm:s0], s1  }
0x6d: {  	s0 =	simm.s32 @!p0 $0x1  }
0x6e: {  	_ =	swait.ge @!p0 [sflag:s0], s1  }
0x6f: {  	s1 =	ssub.s32 @!p0 $0x0, s1;
	[sflag:s0] =	ssyncset.done @!p0 $0x0  }
0x70: {  	[sflag:s0] =	ssyncadd.s32 @!p0 s1  }
0x71: {  	[bflag:$0x3] =	sbarrier.arrive $0xFFFF  }
0x72: {  	_ =	shalt  }

</sc_bundles>
